<compile_context>
chip_gen: v7x
topology: tpu7x:2x2x1
jax: 0.10.2.dev20260603
libtpu: 0.0.44.dev20260713+nightly
codegen_flags: <defaults>
</compile_context>

<pallas_src>
import functools

import jax
import jax.numpy as jnp
from jax import lax
from jax.experimental import pallas as pl
from jax.experimental.pallas import tpu as pltpu
from jax.experimental.pallas import tpu_sc as plsc

TOP_K = 8
N_EMBD = 4096
N_EXPERTS = 64
TOKENS = 8192
BT = 512
CHUNKS = 2
CT = TOKENS // CHUNKS
_INFO = plsc.get_sparse_core_info()
NC, NS, L = _INFO.num_cores, _INFO.num_subcores, _INFO.num_lanes
NW = NC * NS
TPW = CT // NW


def _logits_body(x_ref, w_ref, out_ref):
    x = x_ref[...]
    w = w_ref[...]
    out_ref[...] = lax.dot_general(
        w, x, (((1,), (1,)), ((), ())), preferred_element_type=jnp.float32
    )


def _tc_logits(xc, W):
    return pl.pallas_call(
        _logits_body,
        grid=(CT // BT,),
        in_specs=[
            pl.BlockSpec((BT, N_EMBD), lambda i: (i, 0)),
            pl.BlockSpec((N_EXPERTS, N_EMBD), lambda i: (0, 0)),
        ],
        out_specs=pl.BlockSpec((N_EXPERTS, BT), lambda i: (0, i)),
        out_shape=jax.ShapeDtypeStruct((N_EXPERTS, CT), jnp.float32),
    )(xc, W)


_MESH = plsc.VectorSubcoreMesh(core_axis_name="c", subcore_axis_name="s")


@functools.partial(
    pl.kernel,
    mesh=_MESH,
    out_type=[
        jax.ShapeDtypeStruct((CT * TOP_K,), jnp.float32),
        jax.ShapeDtypeStruct((CT * TOP_K,), jnp.int32),
    ],
    scratch_types=[
        pltpu.VMEM((N_EXPERTS, TPW), jnp.float32),
        pltpu.VMEM((TPW * TOP_K + 2 * L,), jnp.float32),
        pltpu.VMEM((TPW * TOP_K + 2 * L,), jnp.int32),
    ],
    compiler_params=pltpu.CompilerParams(needs_layout_passes=False),
)
def _sc_topk(logits_hbm, w_out, i_out, lg_v, wv, iv):
    wid = lax.axis_index("s") * NC + lax.axis_index("c")
    tok0 = wid * TPW
    pltpu.sync_copy(logits_hbm.at[:, pl.ds(tok0, TPW)], lg_v)

    lane = lax.broadcasted_iota(jnp.int32, (L,), 0)
    low8 = lane < TOP_K
    idx_consts = [lane + e * L for e in range(N_EXPERTS // L)]

    def merge(ka, va, kb, vb):
        km = jnp.where(low8, ka, lax.rev(kb, (0,)))
        vm = jnp.where(low8, va, lax.rev(vb, (0,)))
        return plsc.sort_key_val(km, vm, descending=True)

    def body(t, _):
        tvec = jnp.full((L,), 0, jnp.int32) + t
        ks, vs = [], []
        for e in range(N_EXPERTS // L):
            k = plsc.load_gather(lg_v, [idx_consts[e], tvec])
            sk, sv = plsc.sort_key_val(k, idx_consts[e], descending=True)
            ks.append(sk)
            vs.append(sv)
        k01, v01 = merge(ks[0], vs[0], ks[1], vs[1])
        k23, v23 = merge(ks[2], vs[2], ks[3], vs[3])
        kf, vf = merge(k01, v01, k23, v23)

        m = lax.reduce_max(kf, axes=(0,))
        e8 = jnp.where(low8, jnp.exp(kf - m), 0.0)
        s = lax.reduce_sum(e8, axes=(0,))
        w = e8 / s

        wv[pl.ds(t * TOP_K, L)] = w
        iv[pl.ds(t * TOP_K, L)] = vf
        return _

    lax.fori_loop(0, TPW, body, None)

    obase = tok0 * TOP_K
    pltpu.sync_copy(wv.at[pl.ds(0, TPW * TOP_K)], w_out.at[pl.ds(obase, TPW * TOP_K)])
    pltpu.sync_copy(iv.at[pl.ds(0, TPW * TOP_K)], i_out.at[pl.ds(obase, TPW * TOP_K)])


@jax.jit
def kernel(x, W):
    ws, idxs = [], []
    for c in range(CHUNKS):
        logits_c = _tc_logits(lax.slice_in_dim(x, c * CT, (c + 1) * CT), W)
        w_c, i_c = _sc_topk(logits_c)
        ws.append(w_c)
        idxs.append(i_c)
    w_flat = jnp.concatenate(ws)
    i_flat = jnp.concatenate(idxs)
    return w_flat.reshape(TOKENS, TOP_K), i_flat.reshape(TOKENS, TOP_K)

# --- scband reference (transcript-rebuilt; emitter-appended) ---
"""Pipeline reference for scband-top-krouter-11914239279740 (READ-ONLY COPY).

The authoritative reference and input builder live on the scoring server;
editing this copy changes nothing except your own understanding.
"""

import jax, jax.numpy as jnp
import numpy as np

TOP_K = 8
N_EMBD = 4096
N_EXPERTS = 64
TOKENS = 8192

def setup_inputs(seed: int = 0) -> dict:
    key = jax.random.key(seed)
    kx, kw = jax.random.split(key)
    x = jax.random.normal(kx, (TOKENS, N_EMBD), dtype=jnp.float32)
    # nn.Linear(n_embd, n_experts, bias=False) weight has shape [n_experts, n_embd]
    bound = 1.0 / np.sqrt(N_EMBD)
    W = jax.random.uniform(kw, (N_EXPERTS, N_EMBD), dtype=jnp.float32, minval=-bound, maxval=bound)
    return {"x": x, "W": W}

def reference(x, W):
    # routing_logits = self.routing_weights(x)  -> x @ W.T
    routing_logits = x @ W.T
    routing_probs = jax.nn.softmax(routing_logits, axis=-1)
    topk_weights, topk_indices = jax.lax.top_k(routing_probs, TOP_K)
    topk_weights = topk_weights / jnp.sum(topk_weights, axis=-1, keepdims=True)
    return (topk_weights, topk_indices)

if __name__ == "__main__":
    import jax
    _d = setup_inputs()
    print(jax.jit(kernel)(*tuple(_d.values())))

</pallas_src>

<mosaic_0001>
#map = affine_map<(d0, d1) -> (0, 0)>
#map1 = affine_map<(d0, d1) -> (0)>
module attributes {stable_mosaic.version = 14 : i64} {
  func.func @_sc_topk(%arg0: i32, %arg1: i32, %arg2: memref<64x4096xf32, #tpu.memory_space<hbm>>, %arg3: memref<32768xf32, #tpu.memory_space<hbm>>, %arg4: memref<32768xi32, #tpu.memory_space<hbm>>, %arg5: memref<64x128xf32, #tpu.memory_space<vmem>>, %arg6: memref<1056xf32, #tpu.memory_space<vmem>>, %arg7: memref<1056xi32, #tpu.memory_space<vmem>>) attributes {dimension_semantics = [#tpu.dimension_semantics<core_parallel>, #tpu.dimension_semantics<subcore_parallel>], iteration_bounds = array<i64: 2, 16>, scalar_prefetch = 0 : i64, scratch_operands = 3 : i64, tpu.core_type = #tpu.core_type<sc_vector_subcore>, window_params = [{transform_indices = #map}, {transform_indices = #map1}, {transform_indices = #map1}]} {
    %mul3A = arith.constant 2 : i32
    %mul3A_0 = arith.muli %arg1, %mul3A : i32
    %add3A = arith.addi %mul3A_0, %arg0 : i32
    %mul3A_1 = arith.constant 128 : i32
    %mul3A_2 = arith.muli %add3A, %mul3A_1 : i32
    "tpu.region"() ({
      %run_scoped3A = tpu.sem_alloc : memref<!tpu.dma_semaphore, #tpu.memory_space<semaphore_mem>>
      %dma_start3A = arith.constant 0 : i32
      %dma_start3A_23 = tpu.memref_slice %arg2[%dma_start3A, %mul3A_2] : memref<64x4096xf32, #tpu.memory_space<hbm>> -> memref<64x128xf32, #tpu.memory_space<hbm>>
      %dma_start3A_24 = arith.constant 0 : i32
      %dma_start3A_25 = tpu.memref_slice %arg2[%dma_start3A_24, %mul3A_2] : memref<64x4096xf32, #tpu.memory_space<hbm>> -> memref<64x128xf32, #tpu.memory_space<hbm>>
      tpu.enqueue_dma source(%dma_start3A_25 : memref<64x128xf32, #tpu.memory_space<hbm>>) target(%arg5 : memref<64x128xf32, #tpu.memory_space<vmem>>) target_semaphore(%run_scoped3A : memref<!tpu.dma_semaphore, #tpu.memory_space<semaphore_mem>>)
      %dma_wait3A = arith.constant 0 : i32
      %dma_wait3A_26 = tpu.memref_slice %arg2[%dma_wait3A, %mul3A_2] : memref<64x4096xf32, #tpu.memory_space<hbm>> -> memref<64x128xf32, #tpu.memory_space<hbm>>
      %dma_wait3A_27 = arith.constant 0 : i32
      %dma_wait3A_28 = tpu.memref_slice %arg2[%dma_wait3A_27, %mul3A_2] : memref<64x4096xf32, #tpu.memory_space<hbm>> -> memref<64x128xf32, #tpu.memory_space<hbm>>
      tpu.wait_dma2 semaphore(%run_scoped3A : memref<!tpu.dma_semaphore, #tpu.memory_space<semaphore_mem>>) src(%dma_wait3A_28 : memref<64x128xf32, #tpu.memory_space<hbm>>) dst(%arg5 : memref<64x128xf32, #tpu.memory_space<vmem>>)
      tpu.yield
    }) : () -> ()
    %iota3A = tpu.iota {dimensions = array<i32: 0>} : vector<16xi32>
    %lt3A = arith.constant 8 : i32
    %lt3A_3 = vector.broadcast %lt3A : i32 to vector<16xi32>
    %lt3A_4 = arith.cmpi slt, %iota3A, %lt3A_3 : vector<16xi32>
    %add3A_5 = arith.constant 0 : i32
    %add3A_6 = vector.broadcast %add3A_5 : i32 to vector<16xi32>
    %add3A_7 = arith.addi %iota3A, %add3A_6 : vector<16xi32>
    %add3A_8 = arith.constant 16 : i32
    %add3A_9 = vector.broadcast %add3A_8 : i32 to vector<16xi32>
    %add3A_10 = arith.addi %iota3A, %add3A_9 : vector<16xi32>
    %add3A_11 = arith.constant 32 : i32
    %add3A_12 = vector.broadcast %add3A_11 : i32 to vector<16xi32>
    %add3A_13 = arith.addi %iota3A, %add3A_12 : vector<16xi32>
    %add3A_14 = arith.constant 48 : i32
    %add3A_15 = vector.broadcast %add3A_14 : i32 to vector<16xi32>
    %add3A_16 = arith.addi %iota3A, %add3A_15 : vector<16xi32>
    %scan3A = arith.constant 0 : i32
    %scan3A_17 = arith.constant 128 : i32
    %scan3A_18 = arith.addi %scan3A, %scan3A_17 : i32
    %scan3A_19 = arith.constant 1 : i32
    scf.for %scan3A_23 = %scan3A to %scan3A_18 step %scan3A_19  : i32 {
      %broadcast_in_dim3A = arith.constant 0 : i32
      %broadcast_in_dim3A_24 = vector.broadcast %broadcast_in_dim3A : i32 to vector<16xi32>
      %add3A_25 = vector.broadcast %scan3A_23 : i32 to vector<16xi32>
      %add3A_26 = arith.addi %broadcast_in_dim3A_24, %add3A_25 : vector<16xi32>
      %gather3A = tpu.vector_load_idx %arg5[%add3A_7, %add3A_26] : memref<64x128xf32, #tpu.memory_space<vmem>>[vector<16xi32>, vector<16xi32>], vector<16xf32>,
      %masked_sort3A = arith.constant dense<true> : vector<16xi1>
      %masked_sort3A_27, %masked_sort3A_28, %masked_sort3A_29 = tpu.sort %gather3A, %add3A_7 masked %masked_sort3A {descending = true} : (vector<16xf32>, vector<16xi32>, vector<16xi1>) -> (vector<16xi1>, vector<16xf32>, vector<16xi32>)
      %gather3A_30 = tpu.vector_load_idx %arg5[%add3A_10, %add3A_26] : memref<64x128xf32, #tpu.memory_space<vmem>>[vector<16xi32>, vector<16xi32>], vector<16xf32>,
      %masked_sort3A_31 = arith.constant dense<true> : vector<16xi1>
      %masked_sort3A_32, %masked_sort3A_33, %masked_sort3A_34 = tpu.sort %gather3A_30, %add3A_10 masked %masked_sort3A_31 {descending = true} : (vector<16xf32>, vector<16xi32>, vector<16xi1>) -> (vector<16xi1>, vector<16xf32>, vector<16xi32>)
      %gather3A_35 = tpu.vector_load_idx %arg5[%add3A_13, %add3A_26] : memref<64x128xf32, #tpu.memory_space<vmem>>[vector<16xi32>, vector<16xi32>], vector<16xf32>,
      %masked_sort3A_36 = arith.constant dense<true> : vector<16xi1>
      %masked_sort3A_37, %masked_sort3A_38, %masked_sort3A_39 = tpu.sort %gather3A_35, %add3A_13 masked %masked_sort3A_36 {descending = true} : (vector<16xf32>, vector<16xi32>, vector<16xi1>) -> (vector<16xi1>, vector<16xf32>, vector<16xi32>)
      %gather3A_40 = tpu.vector_load_idx %arg5[%add3A_16, %add3A_26] : memref<64x128xf32, #tpu.memory_space<vmem>>[vector<16xi32>, vector<16xi32>], vector<16xf32>,
      %masked_sort3A_41 = arith.constant dense<true> : vector<16xi1>
      %masked_sort3A_42, %masked_sort3A_43, %masked_sort3A_44 = tpu.sort %gather3A_40, %add3A_16 masked %masked_sort3A_41 {descending = true} : (vector<16xf32>, vector<16xi32>, vector<16xi1>) -> (vector<16xi1>, vector<16xf32>, vector<16xi32>)
      %rev3A = arith.constant 15 : i32
      %rev3A_45 = vector.broadcast %rev3A : i32 to vector<16xi32>
      %rev3A_46 = tpu.iota {dimensions = array<i32: 0>} : vector<16xi32>
      %rev3A_47 = arith.subi %rev3A_45, %rev3A_46 : vector<16xi32>
      %rev3A_48 = tpu.dynamic_gather %masked_sort3A_33[%rev3A_47] in [0] : vector<16xf32>, vector<16xi32> -> vector<16xf32>
      %select_n3A = arith.select %lt3A_4, %masked_sort3A_28, %rev3A_48 : vector<16xi1>, vector<16xf32>
      %rev3A_49 = arith.constant 15 : i32
      %rev3A_50 = vector.broadcast %rev3A_49 : i32 to vector<16xi32>
      %rev3A_51 = tpu.iota {dimensions = array<i32: 0>} : vector<16xi32>
      %rev3A_52 = arith.subi %rev3A_50, %rev3A_51 : vector<16xi32>
      %rev3A_53 = tpu.dynamic_gather %masked_sort3A_34[%rev3A_52] in [0] : vector<16xi32>, vector<16xi32> -> vector<16xi32>
      %select_n3A_54 = arith.select %lt3A_4, %masked_sort3A_29, %rev3A_53 : vector<16xi1>, vector<16xi32>
      %masked_sort3A_55 = arith.constant dense<true> : vector<16xi1>
      %masked_sort3A_56, %masked_sort3A_57, %masked_sort3A_58 = tpu.sort %select_n3A, %select_n3A_54 masked %masked_sort3A_55 {descending = true} : (vector<16xf32>, vector<16xi32>, vector<16xi1>) -> (vector<16xi1>, vector<16xf32>, vector<16xi32>)
      %rev3A_59 = arith.constant 15 : i32
      %rev3A_60 = vector.broadcast %rev3A_59 : i32 to vector<16xi32>
      %rev3A_61 = tpu.iota {dimensions = array<i32: 0>} : vector<16xi32>
      %rev3A_62 = arith.subi %rev3A_60, %rev3A_61 : vector<16xi32>
      %rev3A_63 = tpu.dynamic_gather %masked_sort3A_43[%rev3A_62] in [0] : vector<16xf32>, vector<16xi32> -> vector<16xf32>
      %select_n3A_64 = arith.select %lt3A_4, %masked_sort3A_38, %rev3A_63 : vector<16xi1>, vector<16xf32>
      %rev3A_65 = arith.constant 15 : i32
      %rev3A_66 = vector.broadcast %rev3A_65 : i32 to vector<16xi32>
      %rev3A_67 = tpu.iota {dimensions = array<i32: 0>} : vector<16xi32>
      %rev3A_68 = arith.subi %rev3A_66, %rev3A_67 : vector<16xi32>
      %rev3A_69 = tpu.dynamic_gather %masked_sort3A_44[%rev3A_68] in [0] : vector<16xi32>, vector<16xi32> -> vector<16xi32>
      %select_n3A_70 = arith.select %lt3A_4, %masked_sort3A_39, %rev3A_69 : vector<16xi1>, vector<16xi32>
      %masked_sort3A_71 = arith.constant dense<true> : vector<16xi1>
      %masked_sort3A_72, %masked_sort3A_73, %masked_sort3A_74 = tpu.sort %select_n3A_64, %select_n3A_70 masked %masked_sort3A_71 {descending = true} : (vector<16xf32>, vector<16xi32>, vector<16xi1>) -> (vector<16xi1>, vector<16xf32>, vector<16xi32>)
      %rev3A_75 = arith.constant 15 : i32
      %rev3A_76 = vector.broadcast %rev3A_75 : i32 to vector<16xi32>
      %rev3A_77 = tpu.iota {dimensions = array<i32: 0>} : vector<16xi32>
      %rev3A_78 = arith.subi %rev3A_76, %rev3A_77 : vector<16xi32>
      %rev3A_79 = tpu.dynamic_gather %masked_sort3A_73[%rev3A_78] in [0] : vector<16xf32>, vector<16xi32> -> vector<16xf32>
      %select_n3A_80 = arith.select %lt3A_4, %masked_sort3A_57, %rev3A_79 : vector<16xi1>, vector<16xf32>
      %rev3A_81 = arith.constant 15 : i32
      %rev3A_82 = vector.broadcast %rev3A_81 : i32 to vector<16xi32>
      %rev3A_83 = tpu.iota {dimensions = array<i32: 0>} : vector<16xi32>
      %rev3A_84 = arith.subi %rev3A_82, %rev3A_83 : vector<16xi32>
      %rev3A_85 = tpu.dynamic_gather %masked_sort3A_74[%rev3A_84] in [0] : vector<16xi32>, vector<16xi32> -> vector<16xi32>
      %select_n3A_86 = arith.select %lt3A_4, %masked_sort3A_58, %rev3A_85 : vector<16xi1>, vector<16xi32>
      %masked_sort3A_87 = arith.constant dense<true> : vector<16xi1>
      %masked_sort3A_88, %masked_sort3A_89, %masked_sort3A_90 = tpu.sort %select_n3A_80, %select_n3A_86 masked %masked_sort3A_87 {descending = true} : (vector<16xf32>, vector<16xi32>, vector<16xi1>) -> (vector<16xi1>, vector<16xf32>, vector<16xi32>)
      %reduce_max3A = arith.constant true
      %reduce_max3A_91 = vector.broadcast %reduce_max3A : i1 to vector<16xi1>
      %reduce_max3A_92 = tpu.scan <max>, %masked_sort3A_89 masked %reduce_max3A_91 : vector<16xf32>, vector<16xi1> -> vector<16xf32>
      %reduce_max3A_93 = vector.extract %reduce_max3A_92[15] : f32 from vector<16xf32>
      %sub3A = vector.broadcast %reduce_max3A_93 : f32 to vector<16xf32>
      %sub3A_94 = arith.subf %masked_sort3A_89, %sub3A : vector<16xf32>
      %exp3A = math.exp %sub3A_94 : vector<16xf32>
      %jit3A = arith.constant 0.000000e+00 : f32
      %broadcast_in_dim3A_95 = vector.broadcast %jit3A : f32 to vector<16xf32>
      %select_n3A_96 = arith.select %lt3A_4, %exp3A, %broadcast_in_dim3A_95 : vector<16xi1>, vector<16xf32>
      %reduce_sum3A = arith.constant true
      %reduce_sum3A_97 = vector.broadcast %reduce_sum3A : i1 to vector<16xi1>
      %reduce_sum3A_98 = tpu.scan <sum>, %select_n3A_96 masked %reduce_sum3A_97 : vector<16xf32>, vector<16xi1> -> vector<16xf32>
      %reduce_sum3A_99 = vector.extract %reduce_sum3A_98[15] : f32 from vector<16xf32>
      %div3A = vector.broadcast %reduce_sum3A_99 : f32 to vector<16xf32>
      %div3A_100 = arith.divf %select_n3A_96, %div3A : vector<16xf32>
      %mul3A_101 = arith.constant 8 : i32
      %mul3A_102 = arith.muli %scan3A_23, %mul3A_101 : i32
      %swap3A = arith.index_cast %mul3A_102 : i32 to index
      %swap3A_103 = tpu.vector_load %arg6[%swap3A] {strides = array<i32>} : memref<1056xf32, #tpu.memory_space<vmem>>, vector<16xf32>,
      tpu.vector_store %arg6[%swap3A], %div3A_100 {strides = array<i32>} : memref<1056xf32, #tpu.memory_space<vmem>>, vector<16xf32>,
      %mul3A_104 = arith.constant 8 : i32
      %mul3A_105 = arith.muli %scan3A_23, %mul3A_104 : i32
      %swap3A_106 = arith.index_cast %mul3A_105 : i32 to index
      %swap3A_107 = tpu.vector_load %arg7[%swap3A_106] {strides = array<i32>} : memref<1056xi32, #tpu.memory_space<vmem>>, vector<16xi32>,
      tpu.vector_store %arg7[%swap3A_106], %masked_sort3A_90 {strides = array<i32>} : memref<1056xi32, #tpu.memory_space<vmem>>, vector<16xi32>,
    }
    %scan3A_20 = arith.constant 128 : i32
    %mul3A_21 = arith.constant 8 : i32
    %mul3A_22 = arith.muli %mul3A_2, %mul3A_21 : i32
    "tpu.region"() ({
      %run_scoped3A = tpu.sem_alloc : memref<!tpu.dma_semaphore, #tpu.memory_space<semaphore_mem>>
      %dma_start3A = arith.constant 0 : i32
      %dma_start3A_23 = tpu.memref_slice %arg6[%dma_start3A] : memref<1056xf32, #tpu.memory_space<vmem>> -> memref<1024xf32, #tpu.memory_space<vmem>>
      %dma_start3A_24 = tpu.memref_slice %arg3[%mul3A_22] : memref<32768xf32, #tpu.memory_space<hbm>> -> memref<1024xf32, #tpu.memory_space<hbm>>
      %dma_start3A_25 = tpu.memref_slice %arg3[%mul3A_22] : memref<32768xf32, #tpu.memory_space<hbm>> -> memref<1024xf32, #tpu.memory_space<hbm>>
      %dma_start3A_26 = arith.constant 0 : i32
      %dma_start3A_27 = tpu.memref_slice %arg6[%dma_start3A_26] : memref<1056xf32, #tpu.memory_space<vmem>> -> memref<1024xf32, #tpu.memory_space<vmem>>
      tpu.enqueue_dma source(%dma_start3A_27 : memref<1024xf32, #tpu.memory_space<vmem>>) target(%dma_start3A_25 : memref<1024xf32, #tpu.memory_space<hbm>>) target_semaphore(%run_scoped3A : memref<!tpu.dma_semaphore, #tpu.memory_space<semaphore_mem>>)
      %dma_wait3A = arith.constant 0 : i32
      %dma_wait3A_28 = tpu.memref_slice %arg6[%dma_wait3A] : memref<1056xf32, #tpu.memory_space<vmem>> -> memref<1024xf32, #tpu.memory_space<vmem>>
      %dma_wait3A_29 = tpu.memref_slice %arg3[%mul3A_22] : memref<32768xf32, #tpu.memory_space<hbm>> -> memref<1024xf32, #tpu.memory_space<hbm>>
      %dma_wait3A_30 = tpu.memref_slice %arg3[%mul3A_22] : memref<32768xf32, #tpu.memory_space<hbm>> -> memref<1024xf32, #tpu.memory_space<hbm>>
      %dma_wait3A_31 = arith.constant 0 : i32
      %dma_wait3A_32 = tpu.memref_slice %arg6[%dma_wait3A_31] : memref<1056xf32, #tpu.memory_space<vmem>> -> memref<1024xf32, #tpu.memory_space<vmem>>
      tpu.wait_dma2 semaphore(%run_scoped3A : memref<!tpu.dma_semaphore, #tpu.memory_space<semaphore_mem>>) src(%dma_wait3A_32 : memref<1024xf32, #tpu.memory_space<vmem>>) dst(%dma_wait3A_30 : memref<1024xf32, #tpu.memory_space<hbm>>)
      tpu.yield
    }) : () -> ()
    "tpu.region"() ({
      %run_scoped3A = tpu.sem_alloc : memref<!tpu.dma_semaphore, #tpu.memory_space<semaphore_mem>>
      %dma_start3A = arith.constant 0 : i32
      %dma_start3A_23 = tpu.memref_slice %arg7[%dma_start3A] : memref<1056xi32, #tpu.memory_space<vmem>> -> memref<1024xi32, #tpu.memory_space<vmem>>
      %dma_start3A_24 = tpu.memref_slice %arg4[%mul3A_22] : memref<32768xi32, #tpu.memory_space<hbm>> -> memref<1024xi32, #tpu.memory_space<hbm>>
      %dma_start3A_25 = tpu.memref_slice %arg4[%mul3A_22] : memref<32768xi32, #tpu.memory_space<hbm>> -> memref<1024xi32, #tpu.memory_space<hbm>>
      %dma_start3A_26 = arith.constant 0 : i32
      %dma_start3A_27 = tpu.memref_slice %arg7[%dma_start3A_26] : memref<1056xi32, #tpu.memory_space<vmem>> -> memref<1024xi32, #tpu.memory_space<vmem>>
      tpu.enqueue_dma source(%dma_start3A_27 : memref<1024xi32, #tpu.memory_space<vmem>>) target(%dma_start3A_25 : memref<1024xi32, #tpu.memory_space<hbm>>) target_semaphore(%run_scoped3A : memref<!tpu.dma_semaphore, #tpu.memory_space<semaphore_mem>>)
      %dma_wait3A = arith.constant 0 : i32
      %dma_wait3A_28 = tpu.memref_slice %arg7[%dma_wait3A] : memref<1056xi32, #tpu.memory_space<vmem>> -> memref<1024xi32, #tpu.memory_space<vmem>>
      %dma_wait3A_29 = tpu.memref_slice %arg4[%mul3A_22] : memref<32768xi32, #tpu.memory_space<hbm>> -> memref<1024xi32, #tpu.memory_space<hbm>>
      %dma_wait3A_30 = tpu.memref_slice %arg4[%mul3A_22] : memref<32768xi32, #tpu.memory_space<hbm>> -> memref<1024xi32, #tpu.memory_space<hbm>>
      %dma_wait3A_31 = arith.constant 0 : i32
      %dma_wait3A_32 = tpu.memref_slice %arg7[%dma_wait3A_31] : memref<1056xi32, #tpu.memory_space<vmem>> -> memref<1024xi32, #tpu.memory_space<vmem>>
      tpu.wait_dma2 semaphore(%run_scoped3A : memref<!tpu.dma_semaphore, #tpu.memory_space<semaphore_mem>>) src(%dma_wait3A_32 : memref<1024xi32, #tpu.memory_space<vmem>>) dst(%dma_wait3A_30 : memref<1024xi32, #tpu.memory_space<hbm>>)
      tpu.yield
    }) : () -> ()
    return
  }
}

#map = affine_map<(d0, d1) -> (0, 0)>
#map1 = affine_map<(d0, d1) -> (0)>
module attributes {stable_mosaic.version = 14 : i64} {
  func.func @_sc_topk(%arg0: i32, %arg1: i32, %arg2: memref<64x4096xf32, #tpu.memory_space<hbm>>, %arg3: memref<32768xf32, #tpu.memory_space<hbm>>, %arg4: memref<32768xi32, #tpu.memory_space<hbm>>, %arg5: memref<64x128xf32, #tpu.memory_space<vmem>>, %arg6: memref<1056xf32, #tpu.memory_space<vmem>>, %arg7: memref<1056xi32, #tpu.memory_space<vmem>>) attributes {dimension_semantics = [#tpu.dimension_semantics<core_parallel>, #tpu.dimension_semantics<subcore_parallel>], iteration_bounds = array<i64: 2, 16>, scalar_prefetch = 0 : i64, scratch_operands = 3 : i64, tpu.core_type = #tpu.core_type<sc_vector_subcore>, window_params = [{transform_indices = #map}, {transform_indices = #map1}, {transform_indices = #map1}]} {
    %mul3A = arith.constant 2 : i32
    %mul3A_0 = arith.muli %arg1, %mul3A : i32
    %add3A = arith.addi %mul3A_0, %arg0 : i32
    %mul3A_1 = arith.constant 128 : i32
    %mul3A_2 = arith.muli %add3A, %mul3A_1 : i32
    "tpu.region"() ({
      %run_scoped3A = tpu.sem_alloc : memref<!tpu.dma_semaphore, #tpu.memory_space<semaphore_mem>>
      %dma_start3A = arith.constant 0 : i32
      %dma_start3A_23 = tpu.memref_slice %arg2[%dma_start3A, %mul3A_2] : memref<64x4096xf32, #tpu.memory_space<hbm>> -> memref<64x128xf32, #tpu.memory_space<hbm>>
      %dma_start3A_24 = arith.constant 0 : i32
      %dma_start3A_25 = tpu.memref_slice %arg2[%dma_start3A_24, %mul3A_2] : memref<64x4096xf32, #tpu.memory_space<hbm>> -> memref<64x128xf32, #tpu.memory_space<hbm>>
      tpu.enqueue_dma source(%dma_start3A_25 : memref<64x128xf32, #tpu.memory_space<hbm>>) target(%arg5 : memref<64x128xf32, #tpu.memory_space<vmem>>) target_semaphore(%run_scoped3A : memref<!tpu.dma_semaphore, #tpu.memory_space<semaphore_mem>>)
      %dma_wait3A = arith.constant 0 : i32
      %dma_wait3A_26 = tpu.memref_slice %arg2[%dma_wait3A, %mul3A_2] : memref<64x4096xf32, #tpu.memory_space<hbm>> -> memref<64x128xf32, #tpu.memory_space<hbm>>
      %dma_wait3A_27 = arith.constant 0 : i32
      %dma_wait3A_28 = tpu.memref_slice %arg2[%dma_wait3A_27, %mul3A_2] : memref<64x4096xf32, #tpu.memory_space<hbm>> -> memref<64x128xf32, #tpu.memory_space<hbm>>
      tpu.wait_dma2 semaphore(%run_scoped3A : memref<!tpu.dma_semaphore, #tpu.memory_space<semaphore_mem>>) src(%dma_wait3A_28 : memref<64x128xf32, #tpu.memory_space<hbm>>) dst(%arg5 : memref<64x128xf32, #tpu.memory_space<vmem>>)
      tpu.yield
    }) : () -> ()
    %iota3A = tpu.iota {dimensions = array<i32: 0>} : vector<16xi32>
    %lt3A = arith.constant 8 : i32
    %lt3A_3 = vector.broadcast %lt3A : i32 to vector<16xi32>
    %lt3A_4 = arith.cmpi slt, %iota3A, %lt3A_3 : vector<16xi32>
    %add3A_5 = arith.constant 0 : i32
    %add3A_6 = vector.broadcast %add3A_5 : i32 to vector<16xi32>
    %add3A_7 = arith.addi %iota3A, %add3A_6 : vector<16xi32>
    %add3A_8 = arith.constant 16 : i32
    %add3A_9 = vector.broadcast %add3A_8 : i32 to vector<16xi32>
    %add3A_10 = arith.addi %iota3A, %add3A_9 : vector<16xi32>
    %add3A_11 = arith.constant 32 : i32
    %add3A_12 = vector.broadcast %add3A_11 : i32 to vector<16xi32>
    %add3A_13 = arith.addi %iota3A, %add3A_12 : vector<16xi32>
    %add3A_14 = arith.constant 48 : i32
    %add3A_15 = vector.broadcast %add3A_14 : i32 to vector<16xi32>
    %add3A_16 = arith.addi %iota3A, %add3A_15 : vector<16xi32>
    %scan3A = arith.constant 0 : i32
    %scan3A_17 = arith.constant 128 : i32
    %scan3A_18 = arith.addi %scan3A, %scan3A_17 : i32
    %scan3A_19 = arith.constant 1 : i32
    scf.for %scan3A_23 = %scan3A to %scan3A_18 step %scan3A_19  : i32 {
      %broadcast_in_dim3A = arith.constant 0 : i32
      %broadcast_in_dim3A_24 = vector.broadcast %broadcast_in_dim3A : i32 to vector<16xi32>
      %add3A_25 = vector.broadcast %scan3A_23 : i32 to vector<16xi32>
      %add3A_26 = arith.addi %broadcast_in_dim3A_24, %add3A_25 : vector<16xi32>
      %gather3A = tpu.vector_load_idx %arg5[%add3A_7, %add3A_26] : memref<64x128xf32, #tpu.memory_space<vmem>>[vector<16xi32>, vector<16xi32>], vector<16xf32>,
      %masked_sort3A = arith.constant dense<true> : vector<16xi1>
      %masked_sort3A_27, %masked_sort3A_28, %masked_sort3A_29 = tpu.sort %gather3A, %add3A_7 masked %masked_sort3A {descending = true} : (vector<16xf32>, vector<16xi32>, vector<16xi1>) -> (vector<16xi1>, vector<16xf32>, vector<16xi32>)
      %gather3A_30 = tpu.vector_load_idx %arg5[%add3A_10, %add3A_26] : memref<64x128xf32, #tpu.memory_space<vmem>>[vector<16xi32>, vector<16xi32>], vector<16xf32>,
      %masked_sort3A_31 = arith.constant dense<true> : vector<16xi1>
      %masked_sort3A_32, %masked_sort3A_33, %masked_sort3A_34 = tpu.sort %gather3A_30, %add3A_10 masked %masked_sort3A_31 {descending = true} : (vector<16xf32>, vector<16xi32>, vector<16xi1>) -> (vector<16xi1>, vector<16xf32>, vector<16xi32>)
      %gather3A_35 = tpu.vector_load_idx %arg5[%add3A_13, %add3A_26] : memref<64x128xf32, #tpu.memory_space<vmem>>[vector<16xi32>, vector<16xi32>], vector<16xf32>,
      %masked_sort3A_36 = arith.constant dense<true> : vector<16xi1>
      %masked_sort3A_37, %masked_sort3A_38, %masked_sort3A_39 = tpu.sort %gather3A_35, %add3A_13 masked %masked_sort3A_36 {descending = true} : (vector<16xf32>, vector<16xi32>, vector<16xi1>) -> (vector<16xi1>, vector<16xf32>, vector<16xi32>)
      %gather3A_40 = tpu.vector_load_idx %arg5[%add3A_16, %add3A_26] : memref<64x128xf32, #tpu.memory_space<vmem>>[vector<16xi32>, vector<16xi32>], vector<16xf32>,
      %masked_sort3A_41 = arith.constant dense<true> : vector<16xi1>
      %masked_sort3A_42, %masked_sort3A_43, %masked_sort3A_44 = tpu.sort %gather3A_40, %add3A_16 masked %masked_sort3A_41 {descending = true} : (vector<16xf32>, vector<16xi32>, vector<16xi1>) -> (vector<16xi1>, vector<16xf32>, vector<16xi32>)
      %rev3A = arith.constant 15 : i32
      %rev3A_45 = vector.broadcast %rev3A : i32 to vector<16xi32>
      %rev3A_46 = tpu.iota {dimensions = array<i32: 0>} : vector<16xi32>
      %rev3A_47 = arith.subi %rev3A_45, %rev3A_46 : vector<16xi32>
      %rev3A_48 = tpu.dynamic_gather %masked_sort3A_33[%rev3A_47] in [0] : vector<16xf32>, vector<16xi32> -> vector<16xf32>
      %select_n3A = arith.select %lt3A_4, %masked_sort3A_28, %rev3A_48 : vector<16xi1>, vector<16xf32>
      %rev3A_49 = arith.constant 15 : i32
      %rev3A_50 = vector.broadcast %rev3A_49 : i32 to vector<16xi32>
      %rev3A_51 = tpu.iota {dimensions = array<i32: 0>} : vector<16xi32>
      %rev3A_52 = arith.subi %rev3A_50, %rev3A_51 : vector<16xi32>
      %rev3A_53 = tpu.dynamic_gather %masked_sort3A_34[%rev3A_52] in [0] : vector<16xi32>, vector<16xi32> -> vector<16xi32>
      %select_n3A_54 = arith.select %lt3A_4, %masked_sort3A_29, %rev3A_53 : vector<16xi1>, vector<16xi32>
      %masked_sort3A_55 = arith.constant dense<true> : vector<16xi1>
      %masked_sort3A_56, %masked_sort3A_57, %masked_sort3A_58 = tpu.sort %select_n3A, %select_n3A_54 masked %masked_sort3A_55 {descending = true} : (vector<16xf32>, vector<16xi32>, vector<16xi1>) -> (vector<16xi1>, vector<16xf32>, vector<16xi32>)
      %rev3A_59 = arith.constant 15 : i32
      %rev3A_60 = vector.broadcast %rev3A_59 : i32 to vector<16xi32>
      %rev3A_61 = tpu.iota {dimensions = array<i32: 0>} : vector<16xi32>
      %rev3A_62 = arith.subi %rev3A_60, %rev3A_61 : vector<16xi32>
      %rev3A_63 = tpu.dynamic_gather %masked_sort3A_43[%rev3A_62] in [0] : vector<16xf32>, vector<16xi32> -> vector<16xf32>
      %select_n3A_64 = arith.select %lt3A_4, %masked_sort3A_38, %rev3A_63 : vector<16xi1>, vector<16xf32>
      %rev3A_65 = arith.constant 15 : i32
      %rev3A_66 = vector.broadcast %rev3A_65 : i32 to vector<16xi32>
      %rev3A_67 = tpu.iota {dimensions = array<i32: 0>} : vector<16xi32>
      %rev3A_68 = arith.subi %rev3A_66, %rev3A_67 : vector<16xi32>
      %rev3A_69 = tpu.dynamic_gather %masked_sort3A_44[%rev3A_68] in [0] : vector<16xi32>, vector<16xi32> -> vector<16xi32>
      %select_n3A_70 = arith.select %lt3A_4, %masked_sort3A_39, %rev3A_69 : vector<16xi1>, vector<16xi32>
      %masked_sort3A_71 = arith.constant dense<true> : vector<16xi1>
      %masked_sort3A_72, %masked_sort3A_73, %masked_sort3A_74 = tpu.sort %select_n3A_64, %select_n3A_70 masked %masked_sort3A_71 {descending = true} : (vector<16xf32>, vector<16xi32>, vector<16xi1>) -> (vector<16xi1>, vector<16xf32>, vector<16xi32>)
      %rev3A_75 = arith.constant 15 : i32
      %rev3A_76 = vector.broadcast %rev3A_75 : i32 to vector<16xi32>
      %rev3A_77 = tpu.iota {dimensions = array<i32: 0>} : vector<16xi32>
      %rev3A_78 = arith.subi %rev3A_76, %rev3A_77 : vector<16xi32>
      %rev3A_79 = tpu.dynamic_gather %masked_sort3A_73[%rev3A_78] in [0] : vector<16xf32>, vector<16xi32> -> vector<16xf32>
      %select_n3A_80 = arith.select %lt3A_4, %masked_sort3A_57, %rev3A_79 : vector<16xi1>, vector<16xf32>
      %rev3A_81 = arith.constant 15 : i32
      %rev3A_82 = vector.broadcast %rev3A_81 : i32 to vector<16xi32>
      %rev3A_83 = tpu.iota {dimensions = array<i32: 0>} : vector<16xi32>
      %rev3A_84 = arith.subi %rev3A_82, %rev3A_83 : vector<16xi32>
      %rev3A_85 = tpu.dynamic_gather %masked_sort3A_74[%rev3A_84] in [0] : vector<16xi32>, vector<16xi32> -> vector<16xi32>
      %select_n3A_86 = arith.select %lt3A_4, %masked_sort3A_58, %rev3A_85 : vector<16xi1>, vector<16xi32>
      %masked_sort3A_87 = arith.constant dense<true> : vector<16xi1>
      %masked_sort3A_88, %masked_sort3A_89, %masked_sort3A_90 = tpu.sort %select_n3A_80, %select_n3A_86 masked %masked_sort3A_87 {descending = true} : (vector<16xf32>, vector<16xi32>, vector<16xi1>) -> (vector<16xi1>, vector<16xf32>, vector<16xi32>)
      %reduce_max3A = arith.constant true
      %reduce_max3A_91 = vector.broadcast %reduce_max3A : i1 to vector<16xi1>
      %reduce_max3A_92 = tpu.scan <max>, %masked_sort3A_89 masked %reduce_max3A_91 : vector<16xf32>, vector<16xi1> -> vector<16xf32>
      %reduce_max3A_93 = vector.extract %reduce_max3A_92[15] : f32 from vector<16xf32>
      %sub3A = vector.broadcast %reduce_max3A_93 : f32 to vector<16xf32>
      %sub3A_94 = arith.subf %masked_sort3A_89, %sub3A : vector<16xf32>
      %exp3A = math.exp %sub3A_94 : vector<16xf32>
      %jit3A = arith.constant 0.000000e+00 : f32
      %broadcast_in_dim3A_95 = vector.broadcast %jit3A : f32 to vector<16xf32>
      %select_n3A_96 = arith.select %lt3A_4, %exp3A, %broadcast_in_dim3A_95 : vector<16xi1>, vector<16xf32>
      %reduce_sum3A = arith.constant true
      %reduce_sum3A_97 = vector.broadcast %reduce_sum3A : i1 to vector<16xi1>
      %reduce_sum3A_98 = tpu.scan <sum>, %select_n3A_96 masked %reduce_sum3A_97 : vector<16xf32>, vector<16xi1> -> vector<16xf32>
      %reduce_sum3A_99 = vector.extract %reduce_sum3A_98[15] : f32 from vector<16xf32>
      %div3A = vector.broadcast %reduce_sum3A_99 : f32 to vector<16xf32>
      %div3A_100 = arith.divf %select_n3A_96, %div3A : vector<16xf32>
      %mul3A_101 = arith.constant 8 : i32
      %mul3A_102 = arith.muli %scan3A_23, %mul3A_101 : i32
      %swap3A = arith.index_cast %mul3A_102 : i32 to index
      %swap3A_103 = tpu.vector_load %arg6[%swap3A] {strides = array<i32>} : memref<1056xf32, #tpu.memory_space<vmem>>, vector<16xf32>,
      tpu.vector_store %arg6[%swap3A], %div3A_100 {strides = array<i32>} : memref<1056xf32, #tpu.memory_space<vmem>>, vector<16xf32>,
      %mul3A_104 = arith.constant 8 : i32
      %mul3A_105 = arith.muli %scan3A_23, %mul3A_104 : i32
      %swap3A_106 = arith.index_cast %mul3A_105 : i32 to index
      %swap3A_107 = tpu.vector_load %arg7[%swap3A_106] {strides = array<i32>} : memref<1056xi32, #tpu.memory_space<vmem>>, vector<16xi32>,
      tpu.vector_store %arg7[%swap3A_106], %masked_sort3A_90 {strides = array<i32>} : memref<1056xi32, #tpu.memory_space<vmem>>, vector<16xi32>,
    }
    %scan3A_20 = arith.constant 128 : i32
    %mul3A_21 = arith.constant 8 : i32
    %mul3A_22 = arith.muli %mul3A_2, %mul3A_21 : i32
    "tpu.region"() ({
      %run_scoped3A = tpu.sem_alloc : memref<!tpu.dma_semaphore, #tpu.memory_space<semaphore_mem>>
      %dma_start3A = arith.constant 0 : i32
      %dma_start3A_23 = tpu.memref_slice %arg6[%dma_start3A] : memref<1056xf32, #tpu.memory_space<vmem>> -> memref<1024xf32, #tpu.memory_space<vmem>>
      %dma_start3A_24 = tpu.memref_slice %arg3[%mul3A_22] : memref<32768xf32, #tpu.memory_space<hbm>> -> memref<1024xf32, #tpu.memory_space<hbm>>
      %dma_start3A_25 = tpu.memref_slice %arg3[%mul3A_22] : memref<32768xf32, #tpu.memory_space<hbm>> -> memref<1024xf32, #tpu.memory_space<hbm>>
      %dma_start3A_26 = arith.constant 0 : i32
      %dma_start3A_27 = tpu.memref_slice %arg6[%dma_start3A_26] : memref<1056xf32, #tpu.memory_space<vmem>> -> memref<1024xf32, #tpu.memory_space<vmem>>
      tpu.enqueue_dma source(%dma_start3A_27 : memref<1024xf32, #tpu.memory_space<vmem>>) target(%dma_start3A_25 : memref<1024xf32, #tpu.memory_space<hbm>>) target_semaphore(%run_scoped3A : memref<!tpu.dma_semaphore, #tpu.memory_space<semaphore_mem>>)
      %dma_wait3A = arith.constant 0 : i32
      %dma_wait3A_28 = tpu.memref_slice %arg6[%dma_wait3A] : memref<1056xf32, #tpu.memory_space<vmem>> -> memref<1024xf32, #tpu.memory_space<vmem>>
      %dma_wait3A_29 = tpu.memref_slice %arg3[%mul3A_22] : memref<32768xf32, #tpu.memory_space<hbm>> -> memref<1024xf32, #tpu.memory_space<hbm>>
      %dma_wait3A_30 = tpu.memref_slice %arg3[%mul3A_22] : memref<32768xf32, #tpu.memory_space<hbm>> -> memref<1024xf32, #tpu.memory_space<hbm>>
      %dma_wait3A_31 = arith.constant 0 : i32
      %dma_wait3A_32 = tpu.memref_slice %arg6[%dma_wait3A_31] : memref<1056xf32, #tpu.memory_space<vmem>> -> memref<1024xf32, #tpu.memory_space<vmem>>
      tpu.wait_dma2 semaphore(%run_scoped3A : memref<!tpu.dma_semaphore, #tpu.memory_space<semaphore_mem>>) src(%dma_wait3A_32 : memref<1024xf32, #tpu.memory_space<vmem>>) dst(%dma_wait3A_30 : memref<1024xf32, #tpu.memory_space<hbm>>)
      tpu.yield
    }) : () -> ()
    "tpu.region"() ({
      %run_scoped3A = tpu.sem_alloc : memref<!tpu.dma_semaphore, #tpu.memory_space<semaphore_mem>>
      %dma_start3A = arith.constant 0 : i32
      %dma_start3A_23 = tpu.memref_slice %arg7[%dma_start3A] : memref<1056xi32, #tpu.memory_space<vmem>> -> memref<1024xi32, #tpu.memory_space<vmem>>
      %dma_start3A_24 = tpu.memref_slice %arg4[%mul3A_22] : memref<32768xi32, #tpu.memory_space<hbm>> -> memref<1024xi32, #tpu.memory_space<hbm>>
      %dma_start3A_25 = tpu.memref_slice %arg4[%mul3A_22] : memref<32768xi32, #tpu.memory_space<hbm>> -> memref<1024xi32, #tpu.memory_space<hbm>>
      %dma_start3A_26 = arith.constant 0 : i32
      %dma_start3A_27 = tpu.memref_slice %arg7[%dma_start3A_26] : memref<1056xi32, #tpu.memory_space<vmem>> -> memref<1024xi32, #tpu.memory_space<vmem>>
      tpu.enqueue_dma source(%dma_start3A_27 : memref<1024xi32, #tpu.memory_space<vmem>>) target(%dma_start3A_25 : memref<1024xi32, #tpu.memory_space<hbm>>) target_semaphore(%run_scoped3A : memref<!tpu.dma_semaphore, #tpu.memory_space<semaphore_mem>>)
      %dma_wait3A = arith.constant 0 : i32
      %dma_wait3A_28 = tpu.memref_slice %arg7[%dma_wait3A] : memref<1056xi32, #tpu.memory_space<vmem>> -> memref<1024xi32, #tpu.memory_space<vmem>>
      %dma_wait3A_29 = tpu.memref_slice %arg4[%mul3A_22] : memref<32768xi32, #tpu.memory_space<hbm>> -> memref<1024xi32, #tpu.memory_space<hbm>>
      %dma_wait3A_30 = tpu.memref_slice %arg4[%mul3A_22] : memref<32768xi32, #tpu.memory_space<hbm>> -> memref<1024xi32, #tpu.memory_space<hbm>>
      %dma_wait3A_31 = arith.constant 0 : i32
      %dma_wait3A_32 = tpu.memref_slice %arg7[%dma_wait3A_31] : memref<1056xi32, #tpu.memory_space<vmem>> -> memref<1024xi32, #tpu.memory_space<vmem>>
      tpu.wait_dma2 semaphore(%run_scoped3A : memref<!tpu.dma_semaphore, #tpu.memory_space<semaphore_mem>>) src(%dma_wait3A_32 : memref<1024xi32, #tpu.memory_space<vmem>>) dst(%dma_wait3A_30 : memref<1024xi32, #tpu.memory_space<hbm>>)
      tpu.yield
    }) : () -> ()
    return
  }
}

module attributes {stable_mosaic.version = 14 : i64} {
  func.func @_logits_body(%arg0: i32, %arg1: memref<512x4096xf32, #tpu.memory_space<vmem>>, %arg2: memref<64x4096xf32, #tpu.memory_space<vmem>>, %arg3: memref<64x512xf32, #tpu.memory_space<vmem>>) attributes {dimension_semantics = [#tpu.dimension_semantics<arbitrary>], iteration_bounds = array<i64: 8>, scalar_prefetch = 0 : i64, scratch_operands = 0 : i64, tpu.core_type = #tpu.core_type<tc>, window_params = [{transform_indices = @transform_0, window_bounds = array<i64: 512, 4096>}, {pipeline_mode = #tpu.pipeline_mode<synchronous>, transform_indices = @transform_1, window_bounds = array<i64: 64, 4096>}, {transform_indices = @transform_2, window_bounds = array<i64: 64, 512>}]} {
    %get3A = arith.constant 0 : index
    %get3A_0 = arith.constant 0 : index
    %get3A_1 = vector.load %arg1[%get3A, %get3A_0] : memref<512x4096xf32, #tpu.memory_space<vmem>>, vector<512x4096xf32>
    %get3A_2 = arith.constant 0 : index
    %get3A_3 = arith.constant 0 : index
    %get3A_4 = vector.load %arg2[%get3A_2, %get3A_3] : memref<64x4096xf32, #tpu.memory_space<vmem>>, vector<64x4096xf32>
    %dot_general3A = arith.constant dense<0.000000e+00> : vector<64x512xf32>
    %dot_general3A_5 = tpu.matmul %get3A_4, %get3A_1, %dot_general3A {dimension_numbers = #tpu.dot_dimension_numbers<[1], [1], [0], [0], [0, 0, 1, 0], [], []>, transpose_lhs_hint = false} : vector<64x4096xf32>, vector<512x4096xf32>, vector<64x512xf32> -> vector<64x512xf32>
    %swap3A = arith.constant 0 : index
    %swap3A_6 = arith.constant 0 : index
    %swap3A_7 = vector.load %arg3[%swap3A, %swap3A_6] : memref<64x512xf32, #tpu.memory_space<vmem>>, vector<64x512xf32>
    tpu.vector_store %arg3[%swap3A, %swap3A_6], %dot_general3A_5 {strides = array<i32>} : memref<64x512xf32, #tpu.memory_space<vmem>>, vector<64x512xf32>,
    return
  }
  func.func @transform_0(%arg0: i32) -> (i32, i32) {
    %c0_i32 = arith.constant 0 : i32
    %c0_i32_0 = arith.constant 0 : i32
    return %arg0, %c0_i32 : i32, i32
  }
  func.func @transform_1(%arg0: i32) -> (i32, i32) {
    %c0_i32 = arith.constant 0 : i32
    %c0_i32_0 = arith.constant 0 : i32
    %c0_i32_1 = arith.constant 0 : i32
    return %c0_i32, %c0_i32_0 : i32, i32
  }
  func.func @transform_2(%arg0: i32) -> (i32, i32) {
    %c0_i32 = arith.constant 0 : i32
    %c0_i32_0 = arith.constant 0 : i32
    return %c0_i32, %arg0 : i32, i32
  }
}

</mosaic_0001>

<sc_bundles>
// kernel: kernel.6.cloned.1.call-start
scs
__scs_entry_jumppad:
0x0: {  	(pc) =	sbr.rel $0x88, $3  }
0x1: {  	(tag) =	ssettag $0x0;
	lr =	simm.s32 $0x1  }
0x2: {  	[smem:$0x3F9F] =	sst lr;
	_ =	strace $0xD0000000  }
0x3: {  	_ = 	snop  }
0x4: {  	_ = 	snop  }
0x5: {  	_ = 	snop  }
0x6: {  	_ = 	snop  }
0x7: {  	_ = 	snop  }
__scs_overlays_trampoline_lowered:
0x8: {  	[smem:$0x3FAE] =	sst s0  }
0x9: {  	[smem:$0x3FAF] =	sst s1  }
0xa: {  	[smem:$0x3FB0] =	sst s2  }
0xb: {  	[smem:$0x3FB1] =	sst s3  }
0xc: {  	[smem:$0x3FB2] =	sst s4  }
0xd: {  	[smem:$0x3FB3] =	sst s5  }
0xe: {  	[smem:$0x3FB4] =	sst s6  }
0xf: {  	[smem:$0x3FB5] =	sst s7  }
0x10: {  	[smem:$0x3FB6] =	sst s8  }
0x11: {  	[smem:$0x3FB7] =	sst s9;
	s0 =	simm.s32 @!p0 $0x0  }
0x12: {  	s1 =	sld [smem:$0x3F9D];
	s0 =	simm.s32 @p0 $0x1  }
0x13: {  	[smem:$0x3FB8] =	sst s0;
	s0 =	simm.s32 @!p1 $0x0  }
0x14: {  	s2 =	sld [smem:$0x3F9C];
	s0 =	simm.s32 @p1 $0x1  }
0x15: {  	[smem:$0x3FB9] =	sst s0;
	s0 =	simm.s32 @!p2 $0x0  }
0x16: {  	s3 =	sld [smem:$0x3FDB];
	s0 =	simm.s32 @p2 $0x1  }
0x17: {  	s4 =	simm.s32 $0x1BF5;
	[smem:$0x3FBB] =	sst s0  }
0x18: {  	s0 =	sld [smem:$0x3F9E];
	_ =	swait.ge [sflag:s4], $0x0  }
0x19: {  	s7 =	sld [smem:$0x3F9F]  }
0x1a: {  	s8 =	sadd.s32 $0xFFFFE003, lr  }
0x1b: {  	s9 =	sadd.s32 $0xFFFFFEF7, lr;
	s5 =	simm.s32 $0xFFFFFFFF;
	p2 =	slt.u32 s8, $0xFFFFF086  }
0x1c: {  	p1 =	slt.u32 s9, $0xF7A;
	s5 =	simm.s32 @!p2 $0x0  }
0x1d: {  	s5 =	simm.s32 @p1 $0x1;
	p0 =	seq.s32 s7, s2  }
0x1e: {  	s7 =	smul.u32 @!p0 $0xF7A, s2;
	p2 =	seq.s32 @!p0 s5, $0x0  }
0x1f: {  	s9 =	smul.u32 $0xF7A, s1;
	s8 =	simm.s32 @!p0 $0x1BF5;
	p2 =	por !p2, p0  }
0x20: {  	[sflag:s8] =	ssyncset.s32 @!p0 $0xFFFFF086;
	s6 =	sadd.s32 @!p0 s3, s7;
	s7 =	simm.s32 @!p0 $0x108  }
0x21: {  	s3 =	sadd.s32 s3, s9;
	s6 =	sadd.s32 @!p0 $0x88, s6;
	s7 =	simm.s32 @p2 $0x1082  }
0x22: {  	[simem:s7], [sflag:s8] =	dma.local @!p0 [hbm:s6], $0xF7A  }
0x23: {  	s9 =	sor.u32 $0xD0000000, s2;
	s6 =	simm.s32 $0x108;
	_ =	swait.ge @!p0 [sflag:s8], $0x0  }
0x24: {  	s3 =	sadd.s32 $0x88, s3;
	s6 =	simm.s32 @!p1 $0x1082;
	[sflag:s4] =	ssyncset.s32 $0xFFFFF086  }
0x25: {  	[simem:s6], [sflag:s4] =	dma.local [hbm:s3], $0xF7A  }
0x26: {  	[smem:$0x3F9F] =	sst s1;
	(tag) =	ssettag s2;
	_ =	strace s9  }
0x27: {  	s1 =	sld [smem:$0x3FAF]  }
0x28: {  	s2 =	sld [smem:$0x3FB0]  }
0x29: {  	s4 =	sld [smem:$0x3FB2]  }
0x2a: {  	p0 =	seq.s32 s5, $0x0;
	s5 =	sld [smem:$0x3FB3]  }
0x2b: {  	s6 =	sld [smem:$0x3FB4]  }
0x2c: {  	s7 =	sld [smem:$0x3FB5]  }
0x2d: {  	s3 =	simm.s32 $0x108;
	s8 =	sld [smem:$0x3FB6]  }
0x2e: {  	s3 =	simm.s32 @!p0 $0x1082;
	s9 =	sld [smem:$0x3FB7]  }
0x2f: {  	lr =	sadd.s32 s0, s3;
	s0 =	sld [smem:$0x3FAE]  }
0x30: {  	s3 =	sld [smem:$0x3FB1]  }
0x31: {  	[smem:$0x3FBA] =	sst s10  }
0x32: {  	s10 =	sld [smem:$0x3FB8];
	_ =	sdelay $0x3  }
0x33: {  	p0 =	seq.s32 s10, $0x1;
	s10 =	sld [smem:$0x3FBA];
	_ =	sdelay $0x3  }
0x34: {  	[smem:$0x3FBA] =	sst s10  }
0x35: {  	s10 =	sld [smem:$0x3FB9];
	_ =	sdelay $0x3  }
0x36: {  	p1 =	seq.s32 s10, $0x1;
	s10 =	sld [smem:$0x3FBA];
	_ =	sdelay $0x3  }
0x37: {  	[smem:$0x3FBA] =	sst s10  }
0x38: {  	s10 =	sld [smem:$0x3FBB]  }
0x39: {  	_ = 	snop;
	(pc) =	sbr.ind lr, $3  }
0x3a: {  	_ = 	snop  }
0x3b: {  	_ = 	snop  }
0x3c: {  	p2 =	seq.s32 s10, $0x1;
	s10 =	sld [smem:$0x3FBA]  }
0x3d: {  	_ =	shalt  }
0x3e: {  	_ =	shalt  }
0x3f: {  	_ =	shalt  }
0x40: {  	_ =	shalt  }
0x41: {  	_ =	shalt  }
0x42: {  	_ =	shalt  }
0x43: {  	_ =	shalt  }
0x44: {  	_ =	shalt  }
0x45: {  	_ =	shalt  }
0x46: {  	_ =	shalt  }
0x47: {  	_ =	shalt  }
0x48: {  	_ =	shalt  }
0x49: {  	_ =	shalt  }
0x4a: {  	_ =	shalt  }
0x4b: {  	_ =	shalt  }
0x4c: {  	_ =	shalt  }
0x4d: {  	_ =	shalt  }
0x4e: {  	_ =	shalt  }
0x4f: {  	_ =	shalt  }
0x50: {  	_ =	shalt  }
0x51: {  	_ =	shalt  }
0x52: {  	_ =	shalt  }
0x53: {  	_ =	shalt  }
0x54: {  	_ =	shalt  }
0x55: {  	_ =	shalt  }
0x56: {  	_ =	shalt  }
0x57: {  	_ =	shalt  }
0x58: {  	_ =	shalt  }
0x59: {  	_ =	shalt  }
0x5a: {  	_ =	shalt  }
0x5b: {  	_ =	shalt  }
0x5c: {  	_ =	shalt  }
0x5d: {  	_ =	shalt  }
0x5e: {  	_ =	shalt  }
0x5f: {  	_ =	shalt  }
0x60: {  	_ =	shalt  }
0x61: {  	_ =	shalt  }
0x62: {  	_ =	shalt  }
0x63: {  	_ =	shalt  }
0x64: {  	_ =	shalt  }
0x65: {  	_ =	shalt  }
0x66: {  	_ =	shalt  }
0x67: {  	_ =	shalt  }
0x68: {  	_ =	shalt  }
0x69: {  	_ =	shalt  }
0x6a: {  	_ =	shalt  }
0x6b: {  	_ =	shalt  }
0x6c: {  	_ =	shalt  }
0x6d: {  	_ =	shalt  }
0x6e: {  	_ =	shalt  }
0x6f: {  	_ =	shalt  }
0x70: {  	_ =	shalt  }
0x71: {  	_ =	shalt  }
0x72: {  	_ =	shalt  }
0x73: {  	_ =	shalt  }
0x74: {  	_ =	shalt  }
0x75: {  	_ =	shalt  }
0x76: {  	_ =	shalt  }
0x77: {  	_ =	shalt  }
0x78: {  	_ =	shalt  }
0x79: {  	_ =	shalt  }
0x7a: {  	_ =	shalt  }
0x7b: {  	_ =	shalt  }
0x7c: {  	_ =	shalt  }
0x7d: {  	_ =	shalt  }
0x7e: {  	_ =	shalt  }
0x7f: {  	_ =	shalt  }
0x80: {  	_ =	shalt  }
0x81: {  	_ =	shalt  }
0x82: {  	_ =	shalt  }
0x83: {  	_ =	shalt  }
0x84: {  	_ =	shalt  }
0x85: {  	_ =	shalt  }
0x86: {  	_ =	shalt  }
0x87: {  	_ =	shalt  }
.Lfunc_end0:
.L_simem_size_0:
called_computation_lowered:
.L_overlay_start_0:
0x88: {  	s2 =	sld [smem:$0x3FD9]  }
0x89: {  	s3 =	sld [smem:$0x3FFE];
	_ =	sdelay $0x1  }
0x8a: {  	s1 =	srdreg.scid  }
0x8b: {  	s0 =	sand.u32 $0x1, s1  }
0x8c: {  	s16 =	sshll.u32 s0, $0xA;
	s2 =	sadd.s32 s3, s2  }
0x8d: {  	s2 =	sadd.s32 s2, s16  }
0x8e: {  	[smem:$0x3FC6] =	sst s2  }
0x8f: {  	_ = 	snop  }
0x90: {  	(tm) =	ssettm $0x1  }
0x91: {  	s17 =	sld [smem:$0x3FFB];
	_ =	sdelay $0x3  }
0x92: {  	_ =	strace s17  }
0x93: {  	s2 =	sld [smem:$0x3FFC];
	_ =	sdelay $0x3  }
0x94: {  	_ =	strace s2  }
0x95: {  	s2 =	sld [smem:$0x3FFD];
	_ =	sdelay $0x3  }
0x96: {  	_ =	strace s2  }
0x97: {  	_ =	strace $0x8FFFFFFF  }
0x98: {  	s18 =	sld [smem:$0x3FDB];
	_ =	sdelay $0x1  }
0x99: {  	s19 =	simm.s32 $_scs_section_size  }
0x9a: {  	s4 =	simm.s32 $_size__tile_overlayer_lowered;
	s5 =	simm.s32 $_tile_overlayer_lowered  }
0x9b: {  	s22 =	simm.s32 $0x1BFF;
	s21 =	sshll.u32 s5, $0x1;
	s2 =	sadd.s32 s19, s18  }
0x9c: {  	s6 =	simm.s32 $0x0;
	s20 =	sshll.u32 s4, $0x1;
	s4 =	sadd.s32 s21, s2  }
0x9d: {  	[timem:s6], [sflag:s22] =	dma.local [hbm:s4], s20  }
0x9e: {  	_ =	swait.ge [sflag:s22], s20  }
0x9f: {  	s3 =	ssub.s32 $0x0, s20;
	[sflag:s22] =	ssyncset.done $0x0  }
0xa0: {  	[sflag:s22] =	ssyncadd.s32 s3;
	_ =	sdelay $0x1  }
0xa1: {  	s23 =	simm.s32 $0x1B8B  }
0xa2: {  	_ =	swait.ge [sflag:s23], $0x1  }
0xa3: {  	[sflag:s23] =	ssyncset.done $0x0  }
0xa4: {  	s25 =	simm.s32 $0x1B8E;
	s24 =	sld [smem:$0x3FFE];
	[sflag:s23] =	ssyncadd.s32 $0xFFFFFFFF  }
0xa5: {  	s26 =	simm.s32 $execute0_lowered;
	[smem:$0x3FD2] =	sst s25  }
0xa6: {  	s4 =	sshll.u32 s26, $0x1;
	_ =	strace $0x80000046;
	[dreg:$0x1] =	wrdreg $0xFFFFFFFF  }
0xa7: {  	s28 =	simm.s32 $_size_execute0_lowered;
	s2 =	sadd.s32 s2, s4;
	[dreg:$0x0] =	wrdreg $0x0  }
0xa8: {  	s4 =	sshll.u32 s28, $0x1;
	[dreg:$0x2] =	wrdreg s2  }
0xa9: {  	[dreg:$0x3] =	wrdreg s4  }
0xaa: {  	[dreg:$0x4] =	wrdreg $0xC0  }
0xab: {  	_ =	task [dreg:s6], $0x5FFFF  }
0xac: {  	[dreg:$0x1] =	wrdreg $0xFFFFFFFF  }
0xad: {  	[dreg:$0x0] =	wrdreg $0x60  }
0xae: {  	[dreg:$0x2] =	wrdreg s24  }
0xaf: {  	[dreg:$0x3] =	wrdreg $0x9  }
0xb0: {  	_ =	task.clear_ibuf [dreg:s6], $0x4FFFF;
	_ =	strace $0x90000046  }
0xb1: {  	s29 =	simm.s32 $0x9;
	_ =	strace $0x80000048  }
0xb2: {  	_ =	swait.ge [sflag:s29], $0x1  }
0xb3: {  	[sflag:s29] =	ssyncadd.s32 $0xFFFFFFFF  }
0xb4: {  	_ =	strace $0x90000048  }
0xb5: {  	_ =	sfence  }
0xb6: {  	s30 =	sld [smem:$0x0];
	_ =	sdelay $0x2  }
0xb7: {  	s31 =	sshll.u32 s1, $0xD;
	s1 =	sshrl.u32 s1, $0x2  }
0xb8: {  	s3 =	sand.u32 $0x4000, s31;
	s1 =	sadd.s32 s1, s30  }
0xb9: {  	s0 =	sor.u32 s3, s0;
	s1 =	sshll.u32 s1, $0x11  }
0xba: {  	s0 =	sor.u32 s1, s0  }
0xbb: {  	s0 =	sadd.s32 $0x8F2B, s0  }
0xbc: {  	[sflag:s0] =	ssyncadd.remote.s32 $0x1  }
0xbd: {  	_ =	sfence.sel $0xFFFF  }
0xbe: {  	[dreg:$0x0] =	wrdreg $0xFFFFFFFF;
	(pc) =	sbr.abs _section_cstart, $3  }
0xbf: {  	[dreg:$0x1] =	wrdreg $0xFFFFFFFF  }
0xc0: {  	_ =	task.clear_ibuf [dreg:s6], $0x2FFFF;
	_ =	strace $0x9FFFFFFF  }
0xc1: {  	(tm) =	ssettm $0x7FFFFFFF  }
tec
execute0_lowered:
.L_overlay_start_1:
0x0: {  	(tag) =	ssettag $0x1  }
0x1: {  	s0 =	srdreg.scid  }
0x2: {  	s3 =	rddreg [dreg:$0x0];
	s1 =	stileid.u32;
	s2 =	simm.s32 $0x0  }
0x3: {  	s7 =	simm.s32 $0x400;
	s8 =	simm.s32 $0x8000;
	s9 =	simm.s32 $0x1  }
0x4: {  	s10 =	simm.s32 $0x2000;
	s11 =	simm.s32 $0x2480;
	s4 =	sand.u32 $0x1, s0  }
0x5: {  	v0 =	vlaneseq.u32;
	s12 =	simm.s32 $0x0;
	s5 =	sshll.u32 s1, $0x8;
	s6 =	sshll.u32 s4, $0x7  }
0x6: {  	s0 =	rddreg [dreg:$0x1];
	v1 =	vmul.u32 $0x80, v0;
	s4 =	ssub.s32 $0x2, s4;
	s5 =	sor.u32 s6, s5  }
0x7: {  	vm0 =	vmmov $0xff;
	[smem:$0x7FF] =	sst s2;
	v3 =	vor.u32 $0x10, v0;
	v8 =	vmul.u32 $0xFFFFFFFF, v0;
	s30 =	sshrl.u32 s4, $0x1;
	s5 =	sadd.s32 s5, s3  }
0x8: {  	v5 =	vor.u32 $0x20, v0;
	v7 =	vor.u32 $0x30, v0;
	_ =	strace $0x80000047;
	v2 =	vor.u32 $0x800, v1;
	s31 =	ssub.s32 s4, s30;
	s3 =	sadd.s32 $0x1800, s5  }
0x9: {  	v4 =	vor.u32 $0x1000, v1;
	v6 =	vor.u32 $0x1800, v1;
	v8 =	vadd.s32 $0xF, v8;
	s4 =	sadd.s32 $0x9800, s5;
	s5 =	sadd.s32 $0xA800, s5;
	s6 =	smax.u32 s31, $0x1  }
.LBB2_1:
0xa: {  	v9 =	vmov s2  }
0xb: {  	v9 =	vand.u32 $0x7F, v9  }
0xc: {  	v9 =	vbroadcast v9, $0x0;
	_ =	sdelay $0x1  }
0xd: {  	v10 =	vor.u32 v6, v9  }
0xe: {  	[tilespmem:s2], [sflag:$0x1] =	stream.strided.gather [hbm4b:s3+s7], $0x2000, s8, s7, $0x38;
	v11 =	vor.u32 v2, v9;
	[tilespmem:$0x2900] =	vst v63  }
0xf: {  	_ =	swait.ge [sflag:s9], $0x2000;
	v12 =	vor.u32 v4, v9  }
0x10: {  	[sflag:s9] =	ssyncset.done $0x0  }
0x11: {  	[sflag:s9] =	ssyncadd.s32 $0xFFFFE000;
	v9 =	vor.u32 v1, v9  }
0x12: {  	v10 =	vld.idx.msk [tilespmem:v10+s2+$0x0], $0xffff  }
0x13: {  	v11 =	vld.idx.msk [tilespmem:v11+s2+$0x0], $0xffff  }
0x14: {  	v12 =	vld.idx.msk [tilespmem:v12+s2+$0x0], $0xffff;
	_ =	sdelay $0x1  }
0x15: {  	v9 =	vld.idx.msk [tilespmem:v9+s2+$0x0], $0xffff  }
0x16: {  	(xrf1) =	vsort.dscd.msk.f32 $0xffff, v10, v7  }
0x17: {  	(xrf1) =	vsort.dscd.msk.f32 $0xffff, v11, v3  }
0x18: {  	(xrf1) =	vsort.dscd.msk.f32 $0xffff, v12, v5;
	_ =	sdelay $0x1  }
0x19: {  	(xrf1) =	vsort.dscd.msk.f32 $0xffff, v9, v0;
	_ =	sdelay $0x9  }
0x1a: {  	v9, v10, _ =	vpop (xrf1)  }
0x1b: {  	v9 =	vperm.xlane v9, v8;
	v10 =	vperm.xlane v10, v8;
	v11, v48, _ =	vpop (xrf1)  }
0x1c: {  	v11 =	vperm.xlane v11, v8;
	v13, v14, _ =	vpop (xrf1)  }
0x1d: {  	v12 =	vperm.xlane v48, v8;
	v9 =	vsel vm0, v13, v9;
	v10 =	vsel vm0, v14, v10  }
0x1e: {  	v49, v50, _ =	vpop (xrf1);
	(xrf1) =	vsort.dscd.msk.f32 $0xffff, v9, v10  }
0x1f: {  	v9 =	vsel vm0, v49, v11;
	v10 =	vsel vm0, v50, v12  }
0x20: {  	(xrf1) =	vsort.dscd.msk.f32 $0xffff, v9, v10;
	_ =	sdelay $0xb  }
0x21: {  	v9, v10, _ =	vpop (xrf1)  }
0x22: {  	v9 =	vperm.xlane v9, v8;
	v10 =	vperm.xlane v10, v8  }
0x23: {  	v11, v51, _ =	vpop (xrf1)  }
0x24: {  	v9 =	vsel vm0, v11, v9;
	v10 =	vsel vm0, v51, v10  }
0x25: {  	(xrf1) =	vsort.dscd.msk.f32 $0xffff, v9, v10;
	_ =	sdelay $0xd  }
0x26: {  	v9, v10, _ =	vpop (xrf1)  }
0x27: {  	(xrf0) =	vmax.scan.msk.f32 $0xffff, v9;
	_ =	sdelay $0x5  }
0x28: {  	v11, _, _ =	vpop (xrf0)  }
0x29: {  	v11 =	vbroadcast v11, $0xF;
	_ =	sdelay $0x1  }
0x2a: {  	v9 =	vsub.f32 v9, v11;
	_ =	sdelay $0x1  }
0x2b: {  	v9 =	vmul.f32 $1.442695020e+00, v9;
	_ =	sdelay $0x1  }
0x2c: {  	(erf) = vpow2.f32 v9;
	_ =	sdelay $0x8  }
0x2d: {  	v9 =	vpop (erf)  }
0x2e: {  	v9 =	vnsel vm0, $0x0, v9  }
0x2f: {  	(xrf2) =	vadd.scan.msk.f32 $0xffff, v9;
	_ =	sdelay $0x9  }
0x30: {  	v11, _, _ =	vpop (xrf2)  }
0x31: {  	v11 =	vbroadcast v11, $0xF;
	_ =	sdelay $0x1  }
0x32: {  	(erf) = vrcp.f32 v11;
	_ =	sdelay $0x3  }
0x33: {  	s13 =	simm.s32 $0x1  }
0x34: {  	v11 =	vmov s13  }
0x35: {  	v11 =	vand.u32 $0x7F, v11  }
0x36: {  	v11 =	vbroadcast v11, $0x0;
	_ =	sdelay $0x1  }
0x37: {  	v52 =	vor.u32 v6, v11;
	v53 =	vpop (erf)  }
0x38: {  	v54 =	vor.u32 v2, v11;
	v9 =	vmul.f32 v53, v9  }
0x39: {  	v55 =	vor.u32 v4, v11  }
0x3a: {  	[tilespmem:s10+$0x0] =	vst v9  }
0x3b: {  	v9 =	vor.u32 v1, v11;
	[tilespmem:s11+$0x0] =	vst v10  }
0x3c: {  	v10 =	vld.idx.msk [tilespmem:v52+s2+$0x0], $0xffff  }
0x3d: {  	v11 =	vld.idx.msk [tilespmem:v54+s2+$0x0], $0xffff  }
0x3e: {  	v56 =	vld.idx.msk [tilespmem:v55+s2+$0x0], $0xffff;
	_ =	sdelay $0x1  }
0x3f: {  	v9 =	vld.idx.msk [tilespmem:v9+s2+$0x0], $0xffff  }
0x40: {  	(xrf1) =	vsort.dscd.msk.f32 $0xffff, v10, v7  }
0x41: {  	(xrf1) =	vsort.dscd.msk.f32 $0xffff, v11, v3  }
0x42: {  	(xrf1) =	vsort.dscd.msk.f32 $0xffff, v56, v5;
	_ =	sdelay $0x1  }
0x43: {  	(xrf1) =	vsort.dscd.msk.f32 $0xffff, v9, v0;
	_ =	sdelay $0x9  }
0x44: {  	v9, v10, _ =	vpop (xrf1)  }
0x45: {  	v9 =	vperm.xlane v9, v8;
	v10 =	vperm.xlane v10, v8;
	v11, v57, _ =	vpop (xrf1)  }
0x46: {  	v11 =	vperm.xlane v11, v8;
	v59, v58, _ =	vpop (xrf1)  }
0x47: {  	v12 =	vperm.xlane v57, v8;
	v9 =	vsel vm0, v59, v9;
	v10 =	vsel vm0, v58, v10  }
0x48: {  	v60, v61, _ =	vpop (xrf1);
	(xrf1) =	vsort.dscd.msk.f32 $0xffff, v9, v10  }
0x49: {  	v9 =	vsel vm0, v60, v11;
	v10 =	vsel vm0, v61, v12  }
0x4a: {  	(xrf1) =	vsort.dscd.msk.f32 $0xffff, v9, v10;
	_ =	sdelay $0xb  }
0x4b: {  	v9, v10, _ =	vpop (xrf1)  }
0x4c: {  	v9 =	vperm.xlane v9, v8;
	v10 =	vperm.xlane v10, v8  }
0x4d: {  	v11, v62, _ =	vpop (xrf1)  }
0x4e: {  	v9 =	vsel vm0, v11, v9;
	v10 =	vsel vm0, v62, v10  }
0x4f: {  	(xrf1) =	vsort.dscd.msk.f32 $0xffff, v9, v10;
	_ =	sdelay $0xd  }
0x50: {  	v10, v9, _ =	vpop (xrf1)  }
0x51: {  	(xrf0) =	vmax.scan.msk.f32 $0xffff, v10;
	_ =	sdelay $0x5  }
0x52: {  	v11, _, _ =	vpop (xrf0)  }
0x53: {  	v11 =	vbroadcast v11, $0xF;
	_ =	sdelay $0x1  }
0x54: {  	v10 =	vsub.f32 v10, v11;
	_ =	sdelay $0x1  }
0x55: {  	v10 =	vmul.f32 $1.442695020e+00, v10;
	_ =	sdelay $0x1  }
0x56: {  	(erf) = vpow2.f32 v10;
	_ =	sdelay $0x8  }
0x57: {  	v10 =	vpop (erf)  }
0x58: {  	v10 =	vnsel vm0, $0x0, v10  }
0x59: {  	(xrf2) =	vadd.scan.msk.f32 $0xffff, v10;
	_ =	sdelay $0x9  }
0x5a: {  	v11, _, _ =	vpop (xrf2)  }
0x5b: {  	v11 =	vbroadcast v11, $0xF;
	_ =	sdelay $0x1  }
0x5c: {  	(erf) = vrcp.f32 v11;
	_ =	sdelay $0x3  }
0x5d: {  	s31 =	simm.s32 $0x2  }
0x5e: {  	v63 =	vmov s31  }
0x5f: {  	s15 =	simm.s32 $0x3;
	s14 =	simm.s32 $0x2000;
	s13 =	simm.s32 $0x2480;
	v11 =	vand.u32 $0x7F, v63  }
.LBB2_2:
0x60: {  	p0 =	sne.s32 s15, $0x7F;
	v11 =	vbroadcast v11, $0x0;
	_ =	sdelay $0x1  }
0x61: {  	v12 =	vor.u32 v6, v11;
	v13 =	vpop (erf)  }
0x62: {  	v14 =	vor.u32 v2, v11;
	v10 =	vmul.f32 v13, v10  }
0x63: {  	s14 =	sadd.s32 $0x8, s14;
	v13 =	vor.u32 v4, v11  }
0x64: {  	s13 =	sadd.s32 $0x8, s13;
	[tilespmem:s14+$0x0] =	vst v10  }
0x65: {  	v10 =	vor.u32 v1, v11;
	[tilespmem:s13+$0x0] =	vst v9  }
0x66: {  	v9 =	vld.idx.msk [tilespmem:v12+s2+$0x0], $0xffff  }
0x67: {  	v11 =	vld.idx.msk [tilespmem:v14+s2+$0x0], $0xffff  }
0x68: {  	v12 =	vld.idx.msk [tilespmem:v13+s2+$0x0], $0xffff;
	_ =	sdelay $0x1  }
0x69: {  	v10 =	vld.idx.msk [tilespmem:v10+s2+$0x0], $0xffff;
	_ =	sdelay $0x1  }
0x6a: {  	(xrf1) =	vsort.dscd.msk.f32 $0xffff, v9, v7  }
0x6b: {  	(xrf1) =	vsort.dscd.msk.f32 $0xffff, v11, v3  }
0x6c: {  	(xrf1) =	vsort.dscd.msk.f32 $0xffff, v12, v5;
	_ =	sdelay $0x1  }
0x6d: {  	(xrf1) =	vsort.dscd.msk.f32 $0xffff, v10, v0;
	_ =	sdelay $0x9  }
0x6e: {  	v9, v10, _ =	vpop (xrf1)  }
0x6f: {  	v9 =	vperm.xlane v9, v8;
	v10 =	vperm.xlane v10, v8;
	v11, v12, _ =	vpop (xrf1)  }
0x70: {  	v11 =	vperm.xlane v11, v8;
	v13, v14, _ =	vpop (xrf1)  }
0x71: {  	v12 =	vperm.xlane v12, v8;
	v9 =	vsel vm0, v13, v9;
	v10 =	vsel vm0, v14, v10  }
0x72: {  	v13, v14, _ =	vpop (xrf1);
	(xrf1) =	vsort.dscd.msk.f32 $0xffff, v9, v10  }
0x73: {  	v9 =	vsel vm0, v13, v11;
	v10 =	vsel vm0, v14, v12  }
0x74: {  	(xrf1) =	vsort.dscd.msk.f32 $0xffff, v9, v10;
	_ =	sdelay $0xb  }
0x75: {  	v9, v10, _ =	vpop (xrf1)  }
0x76: {  	v9 =	vperm.xlane v9, v8;
	v10 =	vperm.xlane v10, v8  }
0x77: {  	v11, v12, _ =	vpop (xrf1)  }
0x78: {  	v9 =	vsel vm0, v11, v9;
	v10 =	vsel vm0, v12, v10  }
0x79: {  	(xrf1) =	vsort.dscd.msk.f32 $0xffff, v9, v10;
	_ =	sdelay $0xd  }
0x7a: {  	v10, v9, _ =	vpop (xrf1)  }
0x7b: {  	(xrf0) =	vmax.scan.msk.f32 $0xffff, v10;
	_ =	sdelay $0x5  }
0x7c: {  	v11, _, _ =	vpop (xrf0)  }
0x7d: {  	v11 =	vbroadcast v11, $0xF;
	_ =	sdelay $0x1  }
0x7e: {  	v10 =	vsub.f32 v10, v11;
	_ =	sdelay $0x1  }
0x7f: {  	v10 =	vmul.f32 $1.442695020e+00, v10;
	_ =	sdelay $0x1  }
0x80: {  	(erf) = vpow2.f32 v10;
	_ =	sdelay $0x8  }
0x81: {  	v10 =	vpop (erf)  }
0x82: {  	v10 =	vnsel vm0, $0x0, v10  }
0x83: {  	(xrf2) =	vadd.scan.msk.f32 $0xffff, v10;
	_ =	sdelay $0x9  }
0x84: {  	v11, _, _ =	vpop (xrf2)  }
0x85: {  	v11 =	vbroadcast v11, $0xF;
	_ =	sdelay $0x1  }
0x86: {  	(erf) = vrcp.f32 v11;
	_ =	sdelay $0x1  }
.Ltmp0:
0x87: {  	(pc) =	sbr.rel @p0 .LBB2_2-.Ltmp0, $3  }
0x88: {  	_ =	sdelay $0x1  }
0x89: {  	v11 =	vmov s15  }
0x8a: {  	s15 =	sadd.s32 $0x1, s15;
	v11 =	vand.u32 $0x7F, v11  }
0x8b: {  	v11 =	vbroadcast v11, $0x0;
	_ =	sdelay $0x1  }
0x8c: {  	v12 =	vor.u32 v6, v11;
	v13 =	vpop (erf)  }
0x8d: {  	v14 =	vor.u32 v2, v11;
	v10 =	vmul.f32 v13, v10  }
0x8e: {  	s14 =	sadd.s32 $0x8, s14;
	v56 =	vor.u32 v4, v11  }
0x8f: {  	s13 =	sadd.s32 $0x8, s13;
	[tilespmem:s14+$0x0] =	vst v10  }
0x90: {  	v10 =	vor.u32 v1, v11;
	[tilespmem:s13+$0x0] =	vst v9  }
0x91: {  	v9 =	vld.idx.msk [tilespmem:v12+s2+$0x0], $0xffff  }
0x92: {  	v11 =	vld.idx.msk [tilespmem:v14+s2+$0x0], $0xffff  }
0x93: {  	v57 =	vld.idx.msk [tilespmem:v56+s2+$0x0], $0xffff;
	_ =	sdelay $0x1  }
0x94: {  	v10 =	vld.idx.msk [tilespmem:v10+s2+$0x0], $0xffff  }
0x95: {  	(xrf1) =	vsort.dscd.msk.f32 $0xffff, v9, v7  }
0x96: {  	(xrf1) =	vsort.dscd.msk.f32 $0xffff, v11, v3  }
0x97: {  	(xrf1) =	vsort.dscd.msk.f32 $0xffff, v57, v5;
	_ =	sdelay $0x1  }
0x98: {  	(xrf1) =	vsort.dscd.msk.f32 $0xffff, v10, v0;
	_ =	sdelay $0x9  }
0x99: {  	v9, v10, _ =	vpop (xrf1)  }
0x9a: {  	v9 =	vperm.xlane v9, v8;
	v10 =	vperm.xlane v10, v8;
	v11, v58, _ =	vpop (xrf1)  }
0x9b: {  	v11 =	vperm.xlane v11, v8;
	v60, v59, _ =	vpop (xrf1)  }
0x9c: {  	v12 =	vperm.xlane v58, v8;
	v9 =	vsel vm0, v60, v9;
	v10 =	vsel vm0, v59, v10  }
0x9d: {  	v61, v62, _ =	vpop (xrf1);
	(xrf1) =	vsort.dscd.msk.f32 $0xffff, v9, v10  }
0x9e: {  	v9 =	vsel vm0, v61, v11;
	v10 =	vsel vm0, v62, v12  }
0x9f: {  	(xrf1) =	vsort.dscd.msk.f32 $0xffff, v9, v10;
	_ =	sdelay $0xb  }
0xa0: {  	v9, v10, _ =	vpop (xrf1)  }
0xa1: {  	v9 =	vperm.xlane v9, v8;
	v10 =	vperm.xlane v10, v8  }
0xa2: {  	v11, v63, _ =	vpop (xrf1)  }
0xa3: {  	v9 =	vsel vm0, v11, v9;
	v10 =	vsel vm0, v63, v10  }
0xa4: {  	(xrf1) =	vsort.dscd.msk.f32 $0xffff, v9, v10;
	_ =	sdelay $0xd  }
0xa5: {  	v9, v10, _ =	vpop (xrf1)  }
0xa6: {  	(xrf0) =	vmax.scan.msk.f32 $0xffff, v9;
	_ =	sdelay $0x5  }
0xa7: {  	v11, _, _ =	vpop (xrf0)  }
0xa8: {  	v11 =	vbroadcast v11, $0xF;
	_ =	sdelay $0x1  }
0xa9: {  	v9 =	vsub.f32 v9, v11;
	_ =	sdelay $0x1  }
0xaa: {  	v9 =	vmul.f32 $1.442695020e+00, v9;
	_ =	sdelay $0x1  }
0xab: {  	(erf) = vpow2.f32 v9;
	_ =	sdelay $0x8  }
0xac: {  	v9 =	vpop (erf)  }
0xad: {  	v9 =	vnsel vm0, $0x0, v9  }
0xae: {  	(xrf2) =	vadd.scan.msk.f32 $0xffff, v9;
	_ =	sdelay $0x9  }
0xaf: {  	v11, _, _ =	vpop (xrf2)  }
0xb0: {  	v11 =	vbroadcast v11, $0xF;
	_ =	sdelay $0x1  }
0xb1: {  	(erf) = vrcp.f32 v11;
	_ =	sdelay $0x8  }
0xb2: {  	v11 =	vpop (erf)  }
0xb3: {  	v9 =	vmul.f32 v11, v9  }
0xb4: {  	s14 =	sadd.s32 $0x8, s14  }
0xb5: {  	s13 =	sadd.s32 $0x8, s13;
	[tilespmem:s14+$0x0] =	vst v9  }
0xb6: {  	[tilespmem:s13+$0x0] =	vst v10  }
0xb7: {  	[hbm4b:s4+s2] =	stream.linear.scatter [tilespmem:s10], [sflag:$0x1], $0x400, $0x38;
	[tilespmem:$0x2900] =	vst v63  }
0xb8: {  	s12 =	sadd.s32 $0x1, s12;
	_ =	swait.ge [sflag:s9], $0x400  }
0xb9: {  	p0 =	sne.s32 s12, s6;
	[sflag:s9] =	ssyncset.done $0x0  }
.Ltmp1:
0xba: {  	[sflag:s9] =	ssyncadd.s32 $0xFFFFFC00;
	(pc) =	sbr.rel @p0 .LBB2_1-.Ltmp1, $4  }
0xbb: {  	[hbm4b:s5+s2] =	stream.linear.scatter [tilespmem:s11], [sflag:$0x1], $0x400, $0x38;
	[tilespmem:$0x2900] =	vst v63  }
0xbc: {  	_ =	swait.ge [sflag:s9], $0x400  }
0xbd: {  	[sflag:s9] =	ssyncset.done $0x0  }
0xbe: {  	[sflag:s9] =	ssyncadd.s32 $0xFFFFFC00  }
0xbf: {  	_ =	sfence.sel $0x180000  }
0xc0: {  	[bflag:$0x0] =	sbarrier.arrive $0xFFFF  }
0xc1: {  	p0 =	sne.s32 s1, $0x0;
	_ =	strace $0x90000047  }
0xc2: {  	s0 =	sadd.s32 @!p0 $0x100000, s0;
	[bflag:$0x2] =	sbarrier.arrive $0xFFFF  }
0xc3: {  	[sflag:s0] =	ssyncadd.tile.s32 @!p0 $0x1;
	_ =	shalt  }
.Lfunc_end2:
_tile_overlayer_lowered:
.L_overlay_start_2:
0xc4: {  	(tag) =	ssettag $0x2  }
0xc5: {  	s0 =	rddreg [dreg:$0x0];
	s2 =	stileid.u32  }
0xc6: {  	s1 =	rddreg [dreg:$0x1];
	p0 =	sne.s32 s2, $0x0  }
0xc7: {  	s3 =	rddreg [dreg:$0x2];
	[bflag:$0x3] =	sbarrier.arrive $0xFFFF;
	s2 =	simm.s32 @!p0 $0x1C01  }
0xc8: {  	[timem:s3], [sflag:s2] =	dma.local @!p0 [hbm:s0], s1  }
0xc9: {  	s0 =	simm.s32 @!p0 $0x1  }
0xca: {  	_ =	swait.ge @!p0 [sflag:s0], s1  }
0xcb: {  	s1 =	ssub.s32 @!p0 $0x0, s1;
	[sflag:s0] =	ssyncset.done @!p0 $0x0  }
0xcc: {  	[sflag:s0] =	ssyncadd.s32 @!p0 s1  }
0xcd: {  	[bflag:$0x3] =	sbarrier.arrive $0xFFFF  }
0xce: {  	_ =	shalt  }

// kernel: kernel.9.cloned.1.call-start
scs
__scs_entry_jumppad:
0x0: {  	(pc) =	sbr.rel $0x88, $3  }
0x1: {  	(tag) =	ssettag $0x0;
	lr =	simm.s32 $0x1  }
0x2: {  	[smem:$0x3F9F] =	sst lr;
	_ =	strace $0xD0000000  }
0x3: {  	_ = 	snop  }
0x4: {  	_ = 	snop  }
0x5: {  	_ = 	snop  }
0x6: {  	_ = 	snop  }
0x7: {  	_ = 	snop  }
__scs_overlays_trampoline_lowered:
0x8: {  	[smem:$0x3FAE] =	sst s0  }
0x9: {  	[smem:$0x3FAF] =	sst s1  }
0xa: {  	[smem:$0x3FB0] =	sst s2  }
0xb: {  	[smem:$0x3FB1] =	sst s3  }
0xc: {  	[smem:$0x3FB2] =	sst s4  }
0xd: {  	[smem:$0x3FB3] =	sst s5  }
0xe: {  	[smem:$0x3FB4] =	sst s6  }
0xf: {  	[smem:$0x3FB5] =	sst s7  }
0x10: {  	[smem:$0x3FB6] =	sst s8  }
0x11: {  	[smem:$0x3FB7] =	sst s9;
	s0 =	simm.s32 @!p0 $0x0  }
0x12: {  	s1 =	sld [smem:$0x3F9D];
	s0 =	simm.s32 @p0 $0x1  }
0x13: {  	[smem:$0x3FB8] =	sst s0;
	s0 =	simm.s32 @!p1 $0x0  }
0x14: {  	s2 =	sld [smem:$0x3F9C];
	s0 =	simm.s32 @p1 $0x1  }
0x15: {  	[smem:$0x3FB9] =	sst s0;
	s0 =	simm.s32 @!p2 $0x0  }
0x16: {  	s3 =	sld [smem:$0x3FDB];
	s0 =	simm.s32 @p2 $0x1  }
0x17: {  	s4 =	simm.s32 $0x1BF5;
	[smem:$0x3FBB] =	sst s0  }
0x18: {  	s0 =	sld [smem:$0x3F9E];
	_ =	swait.ge [sflag:s4], $0x0  }
0x19: {  	s7 =	sld [smem:$0x3F9F]  }
0x1a: {  	s8 =	sadd.s32 $0xFFFFE003, lr  }
0x1b: {  	s9 =	sadd.s32 $0xFFFFFEF7, lr;
	s5 =	simm.s32 $0xFFFFFFFF;
	p2 =	slt.u32 s8, $0xFFFFF086  }
0x1c: {  	p1 =	slt.u32 s9, $0xF7A;
	s5 =	simm.s32 @!p2 $0x0  }
0x1d: {  	s5 =	simm.s32 @p1 $0x1;
	p0 =	seq.s32 s7, s2  }
0x1e: {  	s7 =	smul.u32 @!p0 $0xF7A, s2;
	p2 =	seq.s32 @!p0 s5, $0x0  }
0x1f: {  	s9 =	smul.u32 $0xF7A, s1;
	s8 =	simm.s32 @!p0 $0x1BF5;
	p2 =	por !p2, p0  }
0x20: {  	[sflag:s8] =	ssyncset.s32 @!p0 $0xFFFFF086;
	s6 =	sadd.s32 @!p0 s3, s7;
	s7 =	simm.s32 @!p0 $0x108  }
0x21: {  	s3 =	sadd.s32 s3, s9;
	s6 =	sadd.s32 @!p0 $0x88, s6;
	s7 =	simm.s32 @p2 $0x1082  }
0x22: {  	[simem:s7], [sflag:s8] =	dma.local @!p0 [hbm:s6], $0xF7A  }
0x23: {  	s9 =	sor.u32 $0xD0000000, s2;
	s6 =	simm.s32 $0x108;
	_ =	swait.ge @!p0 [sflag:s8], $0x0  }
0x24: {  	s3 =	sadd.s32 $0x88, s3;
	s6 =	simm.s32 @!p1 $0x1082;
	[sflag:s4] =	ssyncset.s32 $0xFFFFF086  }
0x25: {  	[simem:s6], [sflag:s4] =	dma.local [hbm:s3], $0xF7A  }
0x26: {  	[smem:$0x3F9F] =	sst s1;
	(tag) =	ssettag s2;
	_ =	strace s9  }
0x27: {  	s1 =	sld [smem:$0x3FAF]  }
0x28: {  	s2 =	sld [smem:$0x3FB0]  }
0x29: {  	s4 =	sld [smem:$0x3FB2]  }
0x2a: {  	p0 =	seq.s32 s5, $0x0;
	s5 =	sld [smem:$0x3FB3]  }
0x2b: {  	s6 =	sld [smem:$0x3FB4]  }
0x2c: {  	s7 =	sld [smem:$0x3FB5]  }
0x2d: {  	s3 =	simm.s32 $0x108;
	s8 =	sld [smem:$0x3FB6]  }
0x2e: {  	s3 =	simm.s32 @!p0 $0x1082;
	s9 =	sld [smem:$0x3FB7]  }
0x2f: {  	lr =	sadd.s32 s0, s3;
	s0 =	sld [smem:$0x3FAE]  }
0x30: {  	s3 =	sld [smem:$0x3FB1]  }
0x31: {  	[smem:$0x3FBA] =	sst s10  }
0x32: {  	s10 =	sld [smem:$0x3FB8];
	_ =	sdelay $0x3  }
0x33: {  	p0 =	seq.s32 s10, $0x1;
	s10 =	sld [smem:$0x3FBA];
	_ =	sdelay $0x3  }
0x34: {  	[smem:$0x3FBA] =	sst s10  }
0x35: {  	s10 =	sld [smem:$0x3FB9];
	_ =	sdelay $0x3  }
0x36: {  	p1 =	seq.s32 s10, $0x1;
	s10 =	sld [smem:$0x3FBA];
	_ =	sdelay $0x3  }
0x37: {  	[smem:$0x3FBA] =	sst s10  }
0x38: {  	s10 =	sld [smem:$0x3FBB]  }
0x39: {  	_ = 	snop;
	(pc) =	sbr.ind lr, $3  }
0x3a: {  	_ = 	snop  }
0x3b: {  	_ = 	snop  }
0x3c: {  	p2 =	seq.s32 s10, $0x1;
	s10 =	sld [smem:$0x3FBA]  }
0x3d: {  	_ =	shalt  }
0x3e: {  	_ =	shalt  }
0x3f: {  	_ =	shalt  }
0x40: {  	_ =	shalt  }
0x41: {  	_ =	shalt  }
0x42: {  	_ =	shalt  }
0x43: {  	_ =	shalt  }
0x44: {  	_ =	shalt  }
0x45: {  	_ =	shalt  }
0x46: {  	_ =	shalt  }
0x47: {  	_ =	shalt  }
0x48: {  	_ =	shalt  }
0x49: {  	_ =	shalt  }
0x4a: {  	_ =	shalt  }
0x4b: {  	_ =	shalt  }
0x4c: {  	_ =	shalt  }
0x4d: {  	_ =	shalt  }
0x4e: {  	_ =	shalt  }
0x4f: {  	_ =	shalt  }
0x50: {  	_ =	shalt  }
0x51: {  	_ =	shalt  }
0x52: {  	_ =	shalt  }
0x53: {  	_ =	shalt  }
0x54: {  	_ =	shalt  }
0x55: {  	_ =	shalt  }
0x56: {  	_ =	shalt  }
0x57: {  	_ =	shalt  }
0x58: {  	_ =	shalt  }
0x59: {  	_ =	shalt  }
0x5a: {  	_ =	shalt  }
0x5b: {  	_ =	shalt  }
0x5c: {  	_ =	shalt  }
0x5d: {  	_ =	shalt  }
0x5e: {  	_ =	shalt  }
0x5f: {  	_ =	shalt  }
0x60: {  	_ =	shalt  }
0x61: {  	_ =	shalt  }
0x62: {  	_ =	shalt  }
0x63: {  	_ =	shalt  }
0x64: {  	_ =	shalt  }
0x65: {  	_ =	shalt  }
0x66: {  	_ =	shalt  }
0x67: {  	_ =	shalt  }
0x68: {  	_ =	shalt  }
0x69: {  	_ =	shalt  }
0x6a: {  	_ =	shalt  }
0x6b: {  	_ =	shalt  }
0x6c: {  	_ =	shalt  }
0x6d: {  	_ =	shalt  }
0x6e: {  	_ =	shalt  }
0x6f: {  	_ =	shalt  }
0x70: {  	_ =	shalt  }
0x71: {  	_ =	shalt  }
0x72: {  	_ =	shalt  }
0x73: {  	_ =	shalt  }
0x74: {  	_ =	shalt  }
0x75: {  	_ =	shalt  }
0x76: {  	_ =	shalt  }
0x77: {  	_ =	shalt  }
0x78: {  	_ =	shalt  }
0x79: {  	_ =	shalt  }
0x7a: {  	_ =	shalt  }
0x7b: {  	_ =	shalt  }
0x7c: {  	_ =	shalt  }
0x7d: {  	_ =	shalt  }
0x7e: {  	_ =	shalt  }
0x7f: {  	_ =	shalt  }
0x80: {  	_ =	shalt  }
0x81: {  	_ =	shalt  }
0x82: {  	_ =	shalt  }
0x83: {  	_ =	shalt  }
0x84: {  	_ =	shalt  }
0x85: {  	_ =	shalt  }
0x86: {  	_ =	shalt  }
0x87: {  	_ =	shalt  }
.Lfunc_end0:
.L_simem_size_0:
called_computation.1_lowered:
.L_overlay_start_0:
0x88: {  	s2 =	sld [smem:$0x3FD9]  }
0x89: {  	s3 =	sld [smem:$0x3FFE];
	_ =	sdelay $0x1  }
0x8a: {  	s1 =	srdreg.scid  }
0x8b: {  	s0 =	sand.u32 $0x1, s1  }
0x8c: {  	s15 =	sshll.u32 s0, $0xA;
	s2 =	sadd.s32 s3, s2  }
0x8d: {  	s2 =	sadd.s32 s2, s15  }
0x8e: {  	[smem:$0x3FC6] =	sst s2  }
0x8f: {  	_ = 	snop  }
0x90: {  	s2 =	sld [smem:$0x3FD0];
	_ =	sdelay $0x2  }
0x91: {  	s4 =	simm.s32 $0xB;
	s16 =	simm.s32 $0x10  }
0x92: {  	[smem:s16], [sflag:s4] =	dma.local [hbm:s2], $0x1  }
0x93: {  	_ =	swait.eq [sflag:s4], $0x1  }
0x94: {  	[sflag:s4] =	ssyncset.done $0x0  }
0x95: {  	s17 =	sld [smem:$0x10];
	[sflag:s4] =	ssyncadd.s32 $0xFFFFFFFF  }
0x96: {  	s18 =	sld [smem:$0x11];
	(tm) =	ssettm $0x1  }
0x97: {  	s19 =	sld [smem:$0x3FFB];
	_ =	sdelay $0x3  }
0x98: {  	_ =	strace s19  }
0x99: {  	s2 =	sld [smem:$0x3FFC];
	_ =	sdelay $0x3  }
0x9a: {  	_ =	strace s2  }
0x9b: {  	s2 =	sld [smem:$0x3FFD];
	_ =	sdelay $0x3  }
0x9c: {  	_ =	strace s2  }
0x9d: {  	_ =	strace $0x8FFFFFFF  }
0x9e: {  	s20 =	sld [smem:$0x3FDB];
	_ =	sdelay $0x1  }
0x9f: {  	s5 =	simm.s32 $_scs_section_size  }
0xa0: {  	s6 =	simm.s32 $_size__tile_overlayer_lowered;
	s7 =	simm.s32 $_tile_overlayer_lowered  }
0xa1: {  	s8 =	simm.s32 $0x1BFF;
	s21 =	sshll.u32 s7, $0x1;
	s5 =	sadd.s32 s5, s20  }
0xa2: {  	s22 =	simm.s32 $0x0;
	s6 =	sshll.u32 s6, $0x1;
	s7 =	sadd.s32 s21, s5  }
0xa3: {  	[timem:s22], [sflag:s8] =	dma.local [hbm:s7], s6  }
0xa4: {  	_ =	swait.ge [sflag:s8], s6  }
0xa5: {  	s6 =	ssub.s32 $0x0, s6;
	[sflag:s8] =	ssyncset.done $0x0  }
0xa6: {  	[sflag:s8] =	ssyncadd.s32 s6;
	_ =	sdelay $0x1  }
0xa7: {  	s23 =	simm.s32 $0x1B8B  }
0xa8: {  	_ =	swait.ge [sflag:s23], $0x1  }
0xa9: {  	[sflag:s23] =	ssyncset.done $0x0  }
0xaa: {  	[sflag:s23] =	ssyncadd.s32 $0xFFFFFFFF  }
0xab: {  	s6 =	sld [smem:$0x0]  }
0xac: {  	s7 =	sand.u32 $0xFFFFFFFE, s1  }
0xad: {  	p0 =	sne.s32 s1, s7  }
0xae: {  	s7 =	sshll.u32 @p0 s7, $0xE  }
0xaf: {  	s7 =	sadd.s32 @p0 $0x11B8D, s7;
	s8 =	sshll.u32 @p0 s6, $0x11  }
0xb0: {  	s7 =	sor.u32 @p0 s8, s7  }
0xb1: {  	[sflag:s7] =	ssyncadd.remote.s32 @p0 $0x1;
	_ =	sdelay $0x1  }
0xb2: {  	s7 =	simm.s32 @p0 $0x1B8D  }
0xb3: {  	_ =	swait.eq @p0 [sflag:s7], $0x1  }
0xb4: {  	[sflag:s7] =	ssyncadd.s32 @p0 $0xFFFFFFFF  }
0xb5: {  	s8 =	sshll.u32 @!p0 s1, $0xE  }
0xb6: {  	s8 =	sor.u32 @!p0 $0x4000, s8;
	s7 =	simm.s32 @!p0 $0x1B8D  }
0xb7: {  	s6 =	sshll.u32 @!p0 s6, $0x11;
	s8 =	sadd.s32 @!p0 $0x11B8D, s8;
	_ =	swait.eq @!p0 [sflag:s7], $0x1  }
0xb8: {  	s6 =	sor.u32 @!p0 s6, s8;
	[sflag:s7] =	ssyncadd.s32 @!p0 $0xFFFFFFFF  }
0xb9: {  	s25 =	simm.s32 $0x1B8E;
	s24 =	sld [smem:$0x3FFE];
	[sflag:s6] =	ssyncadd.remote.s32 @!p0 $0x1  }
0xba: {  	s26 =	simm.s32 $execute0_lowered;
	[smem:$0x3FD2] =	sst s25  }
0xbb: {  	s7 =	sshll.u32 s26, $0x1;
	_ =	strace $0x80000049;
	[dreg:$0x1] =	wrdreg $0xFFFFFFFF  }
0xbc: {  	s28 =	simm.s32 $_size_execute0_lowered;
	s5 =	sadd.s32 s5, s7;
	[dreg:$0x0] =	wrdreg $0x0  }
0xbd: {  	s7 =	sshll.u32 s28, $0x1;
	[dreg:$0x2] =	wrdreg s5  }
0xbe: {  	[dreg:$0x3] =	wrdreg s7  }
0xbf: {  	[dreg:$0x4] =	wrdreg $0xC0  }
0xc0: {  	_ =	task [dreg:s22], $0x5FFFF  }
0xc1: {  	[dreg:$0x1] =	wrdreg $0xFFFFFFFF  }
0xc2: {  	[dreg:$0x0] =	wrdreg $0x60  }
0xc3: {  	[dreg:$0x2] =	wrdreg s24  }
0xc4: {  	[dreg:$0x3] =	wrdreg s18  }
0xc5: {  	[dreg:$0x4] =	wrdreg s17  }
0xc6: {  	[dreg:$0x5] =	wrdreg $0xA  }
0xc7: {  	_ =	task.clear_ibuf [dreg:s22], $0x6FFFF;
	_ =	strace $0x90000049  }
0xc8: {  	s29 =	simm.s32 $0xA;
	_ =	strace $0x8000004B  }
0xc9: {  	_ =	swait.ge [sflag:s29], $0x1  }
0xca: {  	[sflag:s29] =	ssyncadd.s32 $0xFFFFFFFF  }
0xcb: {  	_ =	strace $0x9000004B  }
0xcc: {  	_ =	sfence  }
0xcd: {  	s30 =	sld [smem:$0x0];
	_ =	sdelay $0x2  }
0xce: {  	s31 =	sshll.u32 s1, $0xD;
	s1 =	sshrl.u32 s1, $0x2  }
0xcf: {  	s4 =	sand.u32 $0x4000, s31;
	s1 =	sadd.s32 s1, s30  }
0xd0: {  	s0 =	sor.u32 s4, s0;
	s1 =	sshll.u32 s1, $0x11  }
0xd1: {  	s0 =	sor.u32 s1, s0  }
0xd2: {  	s0 =	sadd.s32 $0x8F2B, s0  }
0xd3: {  	[sflag:s0] =	ssyncadd.remote.s32 $0x1  }
0xd4: {  	_ =	sfence.sel $0xFFFF  }
0xd5: {  	[dreg:$0x0] =	wrdreg $0xFFFFFFFF;
	(pc) =	sbr.abs _section_cstart, $3  }
0xd6: {  	[dreg:$0x1] =	wrdreg $0xFFFFFFFF  }
0xd7: {  	_ =	task.clear_ibuf [dreg:s22], $0x2FFFF;
	_ =	strace $0x9FFFFFFF  }
0xd8: {  	(tm) =	ssettm $0x7FFFFFFF  }
0xd9: {  	_ =	shalt  }
tec
execute0_lowered:
.L_overlay_start_1:
0x0: {  	(tag) =	ssettag $0x1  }
0x1: {  	s3 =	rddreg [dreg:$0x0]  }
0x2: {  	s4 =	rddreg [dreg:$0x1];
	s0 =	srdreg.scid  }
0x3: {  	s5 =	rddreg [dreg:$0x2];
	s1 =	stileid.u32;
	s2 =	simm.s32 $0x0  }
0x4: {  	s9 =	simm.s32 $0x1;
	s10 =	simm.s32 $0x2000;
	s11 =	simm.s32 $0x2480  }
0x5: {  	s12 =	simm.s32 $0x0;
	s6 =	sand.u32 $0x1, s0;
	s0 =	rddreg [dreg:$0x3]  }
0x6: {  	v0 =	vlaneseq.u32;
	s7 =	sshll.u32 s1, $0x8;
	[smem:$0x7FF] =	sst s2;
	s8 =	sshll.u32 s6, $0x7  }
0x7: {  	v1 =	vmul.u32 $0x80, v0;
	s6 =	ssub.s32 $0x2, s6;
	_ =	strace $0x8000004A;
	s7 =	sor.u32 s8, s7  }
0x8: {  	vm0 =	vmmov $0xff;
	v3 =	vor.u32 $0x10, v0;
	v8 =	vmul.u32 $0xFFFFFFFF, v0;
	s31 =	sshrl.u32 s6, $0x1;
	s8 =	simm.s32 $0x8000;
	s3 =	sadd.s32 s7, s3  }
0x9: {  	v5 =	vor.u32 $0x20, v0;
	v7 =	vor.u32 $0x30, v0;
	v2 =	vor.u32 $0x800, v1;
	s6 =	ssub.s32 s6, s31;
	s4 =	sadd.s32 s4, s7;
	s5 =	sadd.s32 s5, s7  }
0xa: {  	v4 =	vor.u32 $0x1000, v1;
	v6 =	vor.u32 $0x1800, v1;
	v8 =	vadd.s32 $0xF, v8;
	s7 =	simm.s32 $0x400;
	s3 =	sadd.s32 $0xB800, s3;
	s6 =	smax.u32 s6, $0x1  }
.LBB2_1:
0xb: {  	v9 =	vmov s2  }
0xc: {  	v9 =	vand.u32 $0x7F, v9  }
0xd: {  	v9 =	vbroadcast v9, $0x0;
	_ =	sdelay $0x1  }
0xe: {  	v10 =	vor.u32 v6, v9  }
0xf: {  	[tilespmem:s2], [sflag:$0x1] =	stream.strided.gather [hbm4b:s3+s7], $0x2000, s8, s7, $0x38;
	v11 =	vor.u32 v2, v9;
	[tilespmem:$0x2900] =	vst v63  }
0x10: {  	_ =	swait.ge [sflag:s9], $0x2000;
	v12 =	vor.u32 v4, v9  }
0x11: {  	[sflag:s9] =	ssyncset.done $0x0  }
0x12: {  	[sflag:s9] =	ssyncadd.s32 $0xFFFFE000;
	v9 =	vor.u32 v1, v9  }
0x13: {  	v10 =	vld.idx.msk [tilespmem:v10+s2+$0x0], $0xffff  }
0x14: {  	v11 =	vld.idx.msk [tilespmem:v11+s2+$0x0], $0xffff  }
0x15: {  	v12 =	vld.idx.msk [tilespmem:v12+s2+$0x0], $0xffff;
	_ =	sdelay $0x1  }
0x16: {  	v9 =	vld.idx.msk [tilespmem:v9+s2+$0x0], $0xffff  }
0x17: {  	(xrf1) =	vsort.dscd.msk.f32 $0xffff, v10, v7  }
0x18: {  	(xrf1) =	vsort.dscd.msk.f32 $0xffff, v11, v3  }
0x19: {  	(xrf1) =	vsort.dscd.msk.f32 $0xffff, v12, v5;
	_ =	sdelay $0x1  }
0x1a: {  	(xrf1) =	vsort.dscd.msk.f32 $0xffff, v9, v0;
	_ =	sdelay $0x9  }
0x1b: {  	v9, v10, _ =	vpop (xrf1)  }
0x1c: {  	v9 =	vperm.xlane v9, v8;
	v10 =	vperm.xlane v10, v8;
	v11, v48, _ =	vpop (xrf1)  }
0x1d: {  	v11 =	vperm.xlane v11, v8;
	v13, v14, _ =	vpop (xrf1)  }
0x1e: {  	v12 =	vperm.xlane v48, v8;
	v9 =	vsel vm0, v13, v9;
	v10 =	vsel vm0, v14, v10  }
0x1f: {  	v49, v50, _ =	vpop (xrf1);
	(xrf1) =	vsort.dscd.msk.f32 $0xffff, v9, v10  }
0x20: {  	v9 =	vsel vm0, v49, v11;
	v10 =	vsel vm0, v50, v12  }
0x21: {  	(xrf1) =	vsort.dscd.msk.f32 $0xffff, v9, v10;
	_ =	sdelay $0xb  }
0x22: {  	v9, v10, _ =	vpop (xrf1)  }
0x23: {  	v9 =	vperm.xlane v9, v8;
	v10 =	vperm.xlane v10, v8  }
0x24: {  	v11, v51, _ =	vpop (xrf1)  }
0x25: {  	v9 =	vsel vm0, v11, v9;
	v10 =	vsel vm0, v51, v10  }
0x26: {  	(xrf1) =	vsort.dscd.msk.f32 $0xffff, v9, v10;
	_ =	sdelay $0xd  }
0x27: {  	v9, v10, _ =	vpop (xrf1)  }
0x28: {  	(xrf0) =	vmax.scan.msk.f32 $0xffff, v9;
	_ =	sdelay $0x5  }
0x29: {  	v11, _, _ =	vpop (xrf0)  }
0x2a: {  	v11 =	vbroadcast v11, $0xF;
	_ =	sdelay $0x1  }
0x2b: {  	v9 =	vsub.f32 v9, v11;
	_ =	sdelay $0x1  }
0x2c: {  	v9 =	vmul.f32 $1.442695020e+00, v9;
	_ =	sdelay $0x1  }
0x2d: {  	(erf) = vpow2.f32 v9;
	_ =	sdelay $0x8  }
0x2e: {  	v9 =	vpop (erf)  }
0x2f: {  	v9 =	vnsel vm0, $0x0, v9  }
0x30: {  	(xrf2) =	vadd.scan.msk.f32 $0xffff, v9;
	_ =	sdelay $0x9  }
0x31: {  	v11, _, _ =	vpop (xrf2)  }
0x32: {  	v11 =	vbroadcast v11, $0xF;
	_ =	sdelay $0x1  }
0x33: {  	(erf) = vrcp.f32 v11;
	_ =	sdelay $0x3  }
0x34: {  	s13 =	simm.s32 $0x1  }
0x35: {  	v11 =	vmov s13  }
0x36: {  	v11 =	vand.u32 $0x7F, v11  }
0x37: {  	v11 =	vbroadcast v11, $0x0;
	_ =	sdelay $0x1  }
0x38: {  	v52 =	vor.u32 v6, v11;
	v53 =	vpop (erf)  }
0x39: {  	v54 =	vor.u32 v2, v11;
	v9 =	vmul.f32 v53, v9  }
0x3a: {  	v55 =	vor.u32 v4, v11  }
0x3b: {  	[tilespmem:s10+$0x0] =	vst v9  }
0x3c: {  	v9 =	vor.u32 v1, v11;
	[tilespmem:s11+$0x0] =	vst v10  }
0x3d: {  	v10 =	vld.idx.msk [tilespmem:v52+s2+$0x0], $0xffff  }
0x3e: {  	v11 =	vld.idx.msk [tilespmem:v54+s2+$0x0], $0xffff  }
0x3f: {  	v56 =	vld.idx.msk [tilespmem:v55+s2+$0x0], $0xffff;
	_ =	sdelay $0x1  }
0x40: {  	v9 =	vld.idx.msk [tilespmem:v9+s2+$0x0], $0xffff  }
0x41: {  	(xrf1) =	vsort.dscd.msk.f32 $0xffff, v10, v7  }
0x42: {  	(xrf1) =	vsort.dscd.msk.f32 $0xffff, v11, v3  }
0x43: {  	(xrf1) =	vsort.dscd.msk.f32 $0xffff, v56, v5;
	_ =	sdelay $0x1  }
0x44: {  	(xrf1) =	vsort.dscd.msk.f32 $0xffff, v9, v0;
	_ =	sdelay $0x9  }
0x45: {  	v9, v10, _ =	vpop (xrf1)  }
0x46: {  	v9 =	vperm.xlane v9, v8;
	v10 =	vperm.xlane v10, v8;
	v11, v57, _ =	vpop (xrf1)  }
0x47: {  	v11 =	vperm.xlane v11, v8;
	v59, v58, _ =	vpop (xrf1)  }
0x48: {  	v12 =	vperm.xlane v57, v8;
	v9 =	vsel vm0, v59, v9;
	v10 =	vsel vm0, v58, v10  }
0x49: {  	v60, v61, _ =	vpop (xrf1);
	(xrf1) =	vsort.dscd.msk.f32 $0xffff, v9, v10  }
0x4a: {  	v9 =	vsel vm0, v60, v11;
	v10 =	vsel vm0, v61, v12  }
0x4b: {  	(xrf1) =	vsort.dscd.msk.f32 $0xffff, v9, v10;
	_ =	sdelay $0xb  }
0x4c: {  	v9, v10, _ =	vpop (xrf1)  }
0x4d: {  	v9 =	vperm.xlane v9, v8;
	v10 =	vperm.xlane v10, v8  }
0x4e: {  	v11, v62, _ =	vpop (xrf1)  }
0x4f: {  	v9 =	vsel vm0, v11, v9;
	v10 =	vsel vm0, v62, v10  }
0x50: {  	(xrf1) =	vsort.dscd.msk.f32 $0xffff, v9, v10;
	_ =	sdelay $0xd  }
0x51: {  	v10, v9, _ =	vpop (xrf1)  }
0x52: {  	(xrf0) =	vmax.scan.msk.f32 $0xffff, v10;
	_ =	sdelay $0x5  }
0x53: {  	v11, _, _ =	vpop (xrf0)  }
0x54: {  	v11 =	vbroadcast v11, $0xF;
	_ =	sdelay $0x1  }
0x55: {  	v10 =	vsub.f32 v10, v11;
	_ =	sdelay $0x1  }
0x56: {  	v10 =	vmul.f32 $1.442695020e+00, v10;
	_ =	sdelay $0x1  }
0x57: {  	(erf) = vpow2.f32 v10;
	_ =	sdelay $0x8  }
0x58: {  	v10 =	vpop (erf)  }
0x59: {  	v10 =	vnsel vm0, $0x0, v10  }
0x5a: {  	(xrf2) =	vadd.scan.msk.f32 $0xffff, v10;
	_ =	sdelay $0x9  }
0x5b: {  	v11, _, _ =	vpop (xrf2)  }
0x5c: {  	v11 =	vbroadcast v11, $0xF;
	_ =	sdelay $0x1  }
0x5d: {  	(erf) = vrcp.f32 v11;
	_ =	sdelay $0x3  }
0x5e: {  	s31 =	simm.s32 $0x2  }
0x5f: {  	v63 =	vmov s31  }
0x60: {  	s15 =	simm.s32 $0x3;
	s14 =	simm.s32 $0x2000;
	s13 =	simm.s32 $0x2480;
	v11 =	vand.u32 $0x7F, v63  }
.LBB2_2:
0x61: {  	p0 =	sne.s32 s15, $0x7F;
	v11 =	vbroadcast v11, $0x0;
	_ =	sdelay $0x1  }
0x62: {  	v12 =	vor.u32 v6, v11;
	v13 =	vpop (erf)  }
0x63: {  	v14 =	vor.u32 v2, v11;
	v10 =	vmul.f32 v13, v10  }
0x64: {  	s14 =	sadd.s32 $0x8, s14;
	v13 =	vor.u32 v4, v11  }
0x65: {  	s13 =	sadd.s32 $0x8, s13;
	[tilespmem:s14+$0x0] =	vst v10  }
0x66: {  	v10 =	vor.u32 v1, v11;
	[tilespmem:s13+$0x0] =	vst v9  }
0x67: {  	v9 =	vld.idx.msk [tilespmem:v12+s2+$0x0], $0xffff  }
0x68: {  	v11 =	vld.idx.msk [tilespmem:v14+s2+$0x0], $0xffff  }
0x69: {  	v12 =	vld.idx.msk [tilespmem:v13+s2+$0x0], $0xffff;
	_ =	sdelay $0x1  }
0x6a: {  	v10 =	vld.idx.msk [tilespmem:v10+s2+$0x0], $0xffff;
	_ =	sdelay $0x1  }
0x6b: {  	(xrf1) =	vsort.dscd.msk.f32 $0xffff, v9, v7  }
0x6c: {  	(xrf1) =	vsort.dscd.msk.f32 $0xffff, v11, v3  }
0x6d: {  	(xrf1) =	vsort.dscd.msk.f32 $0xffff, v12, v5;
	_ =	sdelay $0x1  }
0x6e: {  	(xrf1) =	vsort.dscd.msk.f32 $0xffff, v10, v0;
	_ =	sdelay $0x9  }
0x6f: {  	v9, v10, _ =	vpop (xrf1)  }
0x70: {  	v9 =	vperm.xlane v9, v8;
	v10 =	vperm.xlane v10, v8;
	v11, v12, _ =	vpop (xrf1)  }
0x71: {  	v11 =	vperm.xlane v11, v8;
	v13, v14, _ =	vpop (xrf1)  }
0x72: {  	v12 =	vperm.xlane v12, v8;
	v9 =	vsel vm0, v13, v9;
	v10 =	vsel vm0, v14, v10  }
0x73: {  	v13, v14, _ =	vpop (xrf1);
	(xrf1) =	vsort.dscd.msk.f32 $0xffff, v9, v10  }
0x74: {  	v9 =	vsel vm0, v13, v11;
	v10 =	vsel vm0, v14, v12  }
0x75: {  	(xrf1) =	vsort.dscd.msk.f32 $0xffff, v9, v10;
	_ =	sdelay $0xb  }
0x76: {  	v9, v10, _ =	vpop (xrf1)  }
0x77: {  	v9 =	vperm.xlane v9, v8;
	v10 =	vperm.xlane v10, v8  }
0x78: {  	v11, v12, _ =	vpop (xrf1)  }
0x79: {  	v9 =	vsel vm0, v11, v9;
	v10 =	vsel vm0, v12, v10  }
0x7a: {  	(xrf1) =	vsort.dscd.msk.f32 $0xffff, v9, v10;
	_ =	sdelay $0xd  }
0x7b: {  	v10, v9, _ =	vpop (xrf1)  }
0x7c: {  	(xrf0) =	vmax.scan.msk.f32 $0xffff, v10;
	_ =	sdelay $0x5  }
0x7d: {  	v11, _, _ =	vpop (xrf0)  }
0x7e: {  	v11 =	vbroadcast v11, $0xF;
	_ =	sdelay $0x1  }
0x7f: {  	v10 =	vsub.f32 v10, v11;
	_ =	sdelay $0x1  }
0x80: {  	v10 =	vmul.f32 $1.442695020e+00, v10;
	_ =	sdelay $0x1  }
0x81: {  	(erf) = vpow2.f32 v10;
	_ =	sdelay $0x8  }
0x82: {  	v10 =	vpop (erf)  }
0x83: {  	v10 =	vnsel vm0, $0x0, v10  }
0x84: {  	(xrf2) =	vadd.scan.msk.f32 $0xffff, v10;
	_ =	sdelay $0x9  }
0x85: {  	v11, _, _ =	vpop (xrf2)  }
0x86: {  	v11 =	vbroadcast v11, $0xF;
	_ =	sdelay $0x1  }
0x87: {  	(erf) = vrcp.f32 v11;
	_ =	sdelay $0x1  }
.Ltmp0:
0x88: {  	(pc) =	sbr.rel @p0 .LBB2_2-.Ltmp0, $3  }
0x89: {  	_ =	sdelay $0x1  }
0x8a: {  	v11 =	vmov s15  }
0x8b: {  	s15 =	sadd.s32 $0x1, s15;
	v11 =	vand.u32 $0x7F, v11  }
0x8c: {  	v11 =	vbroadcast v11, $0x0;
	_ =	sdelay $0x1  }
0x8d: {  	v12 =	vor.u32 v6, v11;
	v13 =	vpop (erf)  }
0x8e: {  	v14 =	vor.u32 v2, v11;
	v10 =	vmul.f32 v13, v10  }
0x8f: {  	s14 =	sadd.s32 $0x8, s14;
	v56 =	vor.u32 v4, v11  }
0x90: {  	s13 =	sadd.s32 $0x8, s13;
	[tilespmem:s14+$0x0] =	vst v10  }
0x91: {  	v10 =	vor.u32 v1, v11;
	[tilespmem:s13+$0x0] =	vst v9  }
0x92: {  	v9 =	vld.idx.msk [tilespmem:v12+s2+$0x0], $0xffff  }
0x93: {  	v11 =	vld.idx.msk [tilespmem:v14+s2+$0x0], $0xffff  }
0x94: {  	v57 =	vld.idx.msk [tilespmem:v56+s2+$0x0], $0xffff;
	_ =	sdelay $0x1  }
0x95: {  	v10 =	vld.idx.msk [tilespmem:v10+s2+$0x0], $0xffff  }
0x96: {  	(xrf1) =	vsort.dscd.msk.f32 $0xffff, v9, v7  }
0x97: {  	(xrf1) =	vsort.dscd.msk.f32 $0xffff, v11, v3  }
0x98: {  	(xrf1) =	vsort.dscd.msk.f32 $0xffff, v57, v5;
	_ =	sdelay $0x1  }
0x99: {  	(xrf1) =	vsort.dscd.msk.f32 $0xffff, v10, v0;
	_ =	sdelay $0x9  }
0x9a: {  	v9, v10, _ =	vpop (xrf1)  }
0x9b: {  	v9 =	vperm.xlane v9, v8;
	v10 =	vperm.xlane v10, v8;
	v11, v58, _ =	vpop (xrf1)  }
0x9c: {  	v11 =	vperm.xlane v11, v8;
	v60, v59, _ =	vpop (xrf1)  }
0x9d: {  	v12 =	vperm.xlane v58, v8;
	v9 =	vsel vm0, v60, v9;
	v10 =	vsel vm0, v59, v10  }
0x9e: {  	v61, v62, _ =	vpop (xrf1);
	(xrf1) =	vsort.dscd.msk.f32 $0xffff, v9, v10  }
0x9f: {  	v9 =	vsel vm0, v61, v11;
	v10 =	vsel vm0, v62, v12  }
0xa0: {  	(xrf1) =	vsort.dscd.msk.f32 $0xffff, v9, v10;
	_ =	sdelay $0xb  }
0xa1: {  	v9, v10, _ =	vpop (xrf1)  }
0xa2: {  	v9 =	vperm.xlane v9, v8;
	v10 =	vperm.xlane v10, v8  }
0xa3: {  	v11, v63, _ =	vpop (xrf1)  }
0xa4: {  	v9 =	vsel vm0, v11, v9;
	v10 =	vsel vm0, v63, v10  }
0xa5: {  	(xrf1) =	vsort.dscd.msk.f32 $0xffff, v9, v10;
	_ =	sdelay $0xd  }
0xa6: {  	v9, v10, _ =	vpop (xrf1)  }
0xa7: {  	(xrf0) =	vmax.scan.msk.f32 $0xffff, v9;
	_ =	sdelay $0x5  }
0xa8: {  	v11, _, _ =	vpop (xrf0)  }
0xa9: {  	v11 =	vbroadcast v11, $0xF;
	_ =	sdelay $0x1  }
0xaa: {  	v9 =	vsub.f32 v9, v11;
	_ =	sdelay $0x1  }
0xab: {  	v9 =	vmul.f32 $1.442695020e+00, v9;
	_ =	sdelay $0x1  }
0xac: {  	(erf) = vpow2.f32 v9;
	_ =	sdelay $0x8  }
0xad: {  	v9 =	vpop (erf)  }
0xae: {  	v9 =	vnsel vm0, $0x0, v9  }
0xaf: {  	(xrf2) =	vadd.scan.msk.f32 $0xffff, v9;
	_ =	sdelay $0x9  }
0xb0: {  	v11, _, _ =	vpop (xrf2)  }
0xb1: {  	v11 =	vbroadcast v11, $0xF;
	_ =	sdelay $0x1  }
0xb2: {  	(erf) = vrcp.f32 v11;
	_ =	sdelay $0x8  }
0xb3: {  	v11 =	vpop (erf)  }
0xb4: {  	v9 =	vmul.f32 v11, v9  }
0xb5: {  	s14 =	sadd.s32 $0x8, s14  }
0xb6: {  	s13 =	sadd.s32 $0x8, s13;
	[tilespmem:s14+$0x0] =	vst v9  }
0xb7: {  	[tilespmem:s13+$0x0] =	vst v10  }
0xb8: {  	[hbm4b:s4+s2] =	stream.linear.scatter [tilespmem:s10], [sflag:$0x1], $0x400, $0x38;
	[tilespmem:$0x2900] =	vst v63  }
0xb9: {  	s12 =	sadd.s32 $0x1, s12;
	_ =	swait.ge [sflag:s9], $0x400  }
0xba: {  	p0 =	sne.s32 s12, s6;
	[sflag:s9] =	ssyncset.done $0x0  }
.Ltmp1:
0xbb: {  	[sflag:s9] =	ssyncadd.s32 $0xFFFFFC00;
	(pc) =	sbr.rel @p0 .LBB2_1-.Ltmp1, $4  }
0xbc: {  	[hbm4b:s5+s2] =	stream.linear.scatter [tilespmem:s11], [sflag:$0x1], $0x400, $0x38;
	[tilespmem:$0x2900] =	vst v63  }
0xbd: {  	_ =	swait.ge [sflag:s9], $0x400  }
0xbe: {  	[sflag:s9] =	ssyncset.done $0x0  }
0xbf: {  	[sflag:s9] =	ssyncadd.s32 $0xFFFFFC00  }
0xc0: {  	_ =	sfence.sel $0x180000  }
0xc1: {  	[bflag:$0x0] =	sbarrier.arrive $0xFFFF  }
0xc2: {  	p0 =	sne.s32 s1, $0x0;
	_ =	strace $0x9000004A  }
0xc3: {  	s0 =	sadd.s32 @!p0 $0x100000, s0;
	[bflag:$0x2] =	sbarrier.arrive $0xFFFF  }
0xc4: {  	[sflag:s0] =	ssyncadd.tile.s32 @!p0 $0x1;
	_ =	shalt  }
.Lfunc_end2:
_tile_overlayer_lowered:
.L_overlay_start_2:
0xc5: {  	(tag) =	ssettag $0x2  }
0xc6: {  	s0 =	rddreg [dreg:$0x0];
	s2 =	stileid.u32  }
0xc7: {  	s1 =	rddreg [dreg:$0x1];
	p0 =	sne.s32 s2, $0x0  }
0xc8: {  	s3 =	rddreg [dreg:$0x2];
	[bflag:$0x3] =	sbarrier.arrive $0xFFFF;
	s2 =	simm.s32 @!p0 $0x1C01  }
0xc9: {  	[timem:s3], [sflag:s2] =	dma.local @!p0 [hbm:s0], s1  }
0xca: {  	s0 =	simm.s32 @!p0 $0x1  }
0xcb: {  	_ =	swait.ge @!p0 [sflag:s0], s1  }
0xcc: {  	s1 =	ssub.s32 @!p0 $0x0, s1;
	[sflag:s0] =	ssyncset.done @!p0 $0x0  }
0xcd: {  	[sflag:s0] =	ssyncadd.s32 @!p0 s1  }
0xce: {  	[bflag:$0x3] =	sbarrier.arrive $0xFFFF  }
0xcf: {  	_ =	shalt  }

</sc_bundles>
